<compile_context>
chip_gen: v7x
topology: tpu7x:2x2x1
jax: 0.10.2.dev20260603
libtpu: 0.0.44.dev20260713+nightly
codegen_flags: <defaults>
</compile_context>

<pallas_src>
import jax
import jax.numpy as jnp
from jax import lax
from jax.experimental import pallas as pl
from jax.experimental.pallas import tpu as pltpu
from jax.experimental.pallas import tpu_sc as plsc

N = 10000
E = 320000
D = 128
G = 256
L = 16
NW = 32
EC0 = 10240
ECL = E - 31 * EC0
NC0 = 320
NCL = N - 31 * NC0
NB = G


def _pack_bf16_pair(hi, lo):
    h16 = lax.bitcast_convert_type(hi.astype(jnp.bfloat16), jnp.uint16)
    l16 = lax.bitcast_convert_type(lo.astype(jnp.bfloat16), jnp.uint16)
    word = (h16.astype(jnp.uint32) << 16) | l16.astype(jnp.uint32)
    return jnp.reshape(lax.bitcast_convert_type(word, jnp.int32),
                       (hi.shape[1],))


def _dense_body(x_ref, wn_ref, we_ref, b_ref, nk_ref, e1_ref, e2_ref):
    x = x_ref[...]
    dn = (((0,), (1,)), ((), ()))
    hn = lax.dot_general(wn_ref[...], x, dn,
                         preferred_element_type=jnp.float32)
    hn = hn + b_ref[0:2, :]
    a = hn[0:1, :]
    b = hn[1:2, :]
    m = jnp.maximum(a, b)
    ea = jnp.exp(a - m)
    eb = jnp.exp(b - m)
    nk_ref[...] = jnp.reshape(ea / (ea + eb), (x.shape[0],))
    h1 = lax.dot_general(we_ref[0:D], x, dn,
                         preferred_element_type=jnp.float32)
    h1 = h1 + b_ref[2:4, :]
    h2 = lax.dot_general(we_ref[D:2 * D], x, dn,
                         preferred_element_type=jnp.float32)
    e1_ref[...] = _pack_bf16_pair(h1[0:1, :], h1[1:2, :])
    e2_ref[...] = _pack_bf16_pair(h2[0:1, :], h2[1:2, :])


def _dense_call(node_rep, W_node, W_edge, bcat):
    return pl.pallas_call(
        _dense_body,
        out_shape=[
            jax.ShapeDtypeStruct((N,), jnp.float32),
            jax.ShapeDtypeStruct((N,), jnp.int32),
            jax.ShapeDtypeStruct((N,), jnp.int32),
        ],
    )(node_rep, W_node, W_edge, bcat)


def _sc_body(e1_hbm, e2_hbm, nk_hbm, batch_hbm, ei_hbm,
             ek_hbm, out_hbm,
             e1_v, e2_v, batch_v, nk_v, ei_v, ek_v,
             a_sn, a_cn, a_se, a_ce, res_v, dma_sem):
    w = lax.axis_index("s") * 2 + lax.axis_index("c")
    is_last = w == NW - 1

    copies = [
        pltpu.async_copy(e1_hbm, e1_v, dma_sem),
        pltpu.async_copy(e2_hbm, e2_v, dma_sem),
        pltpu.async_copy(batch_hbm, batch_v, dma_sem),
    ]

    @pl.when(jnp.logical_not(is_last))
    def _():
        pltpu.sync_copy(ei_hbm.at[:, pl.ds(w * EC0, EC0)], ei_v)

    @pl.when(is_last)
    def _():
        pltpu.sync_copy(ei_hbm.at[:, pl.ds(31 * EC0, ECL)],
                        ei_v.at[:, pl.ds(0, ECL)])

    zeros = jnp.zeros((L,), jnp.float32)
    ones = jnp.ones((L,), jnp.float32)
    lane = lax.iota(jnp.int32, L)
    mask_hi = jnp.full((L,), -65536, jnp.int32)

    izeros = jnp.zeros((L,), jnp.int32)

    @plsc.parallel_loop(0, NB, unroll=8)
    def z1(i):
        off = pl.ds(i * L, L)
        a_se[off] = zeros
        a_ce[off] = izeros
        a_sn[off] = zeros
        a_cn[off] = izeros

    for cp in copies:
        cp.wait()

    nv_edge = jnp.where(is_last, ECL // L, EC0 // L)

    @plsc.parallel_loop(0, nv_edge, unroll=8)
    def edge_body(i):
        sl = pl.ds(i * L, L)
        r = ei_v[0, sl]
        c = ei_v[1, sl]
        w1 = plsc.load_gather(e1_v, [r])
        w2 = plsc.load_gather(e2_v, [c])
        p1a = plsc.bitcast(w1 & mask_hi, jnp.float32)
        p1b = plsc.bitcast(w1 << 16, jnp.float32)
        p2a = plsc.bitcast(w2 & mask_hi, jnp.float32)
        p2b = plsc.bitcast(w2 << 16, jnp.float32)
        a = p1a + p2a
        b = p1b + p2b
        m = jnp.maximum(a, b)
        ea = jnp.exp(a - m)
        eb = jnp.exp(b - m)
        ek = ea / (ea + eb)
        ek_v[sl] = ek
        g = plsc.load_gather(batch_v, [r])
        flat = lane * NB + g
        plsc.addupdate_scatter(a_se, [flat], ek)
        cnz = jnp.where(ek > 0, jnp.full((L,), 0x10001, jnp.int32),
                        jnp.full((L,), 0x10000, jnp.int32))
        plsc.addupdate_scatter(a_ce, [flat], cnz)

    @pl.when(jnp.logical_not(is_last))
    def _():
        pltpu.sync_copy(ek_v, ek_hbm.at[0, pl.ds(w * EC0, EC0)])

    @pl.when(is_last)
    def _():
        pltpu.sync_copy(ek_v.at[pl.ds(0, ECL)],
                        ek_hbm.at[0, pl.ds(31 * EC0, ECL)])

    @pl.when(jnp.logical_not(is_last))
    def _():
        pltpu.sync_copy(nk_hbm.at[pl.ds(w * NC0, NC0)], nk_v)

    @pl.when(is_last)
    def _():
        pltpu.sync_copy(nk_hbm.at[pl.ds(31 * NC0, NCL)],
                        nk_v.at[pl.ds(0, NCL)])

    nv_node = jnp.where(is_last, NCL // L, NC0 // L)

    @plsc.parallel_loop(0, nv_node, unroll=1)
    def node_body(i):
        nk = nk_v[pl.ds(i * L, L)]
        g = batch_v[pl.ds(w * NC0 + i * L, L)]
        flat = lane * NB + g
        plsc.addupdate_scatter(a_sn, [flat], nk)
        cnz = jnp.where(nk > 0, jnp.full((L,), 0x10001, jnp.int32),
                        jnp.full((L,), 0x10000, jnp.int32))
        plsc.addupdate_scatter(a_cn, [flat], cnz)

    mask_lo = jnp.full((L,), 0xFFFF, jnp.int32)
    for k, acc, packed in ((0, a_sn, False), (1, a_cn, True),
                           (3, a_se, False), (4, a_ce, True)):
        @plsc.parallel_loop(0, G // L, unroll=2)
        def jbody(j, acc=acc, k=k, packed=packed):
            vals = [acc[pl.ds(l * NB + j * L, L)] for l in range(L)]
            while len(vals) > 1:
                vals = [a + b for a, b in zip(vals[::2], vals[1::2])]
            tot = vals[0]
            if packed:
                res_v[pl.ds(k * G + j * L, L)] = (
                    lax.shift_right_logical(tot, 16).astype(jnp.float32))
                res_v[pl.ds((k + 1) * G + j * L, L)] = (
                    (tot & mask_lo).astype(jnp.float32))
            else:
                res_v[pl.ds(k * G + j * L, L)] = tot

    pltpu.sync_copy(res_v, out_hbm.at[w])


def _sc_call(e1, e2, nk, batch, edge_index):
    mesh = plsc.VectorSubcoreMesh(core_axis_name="c", subcore_axis_name="s")
    kern = pl.kernel(
        _sc_body,
        mesh=mesh,
        compiler_params=pltpu.CompilerParams(needs_layout_passes=False),
        out_type=[
            jax.ShapeDtypeStruct((1, E), jnp.float32),
            jax.ShapeDtypeStruct((NW, 6 * G), jnp.float32),
        ],
        scratch_types=[
            pltpu.VMEM((N,), jnp.int32),
            pltpu.VMEM((N,), jnp.int32),
            pltpu.VMEM((N,), jnp.int32),
            pltpu.VMEM((NC0,), jnp.float32),
            pltpu.VMEM((2, EC0), jnp.int32),
            pltpu.VMEM((EC0,), jnp.float32),
            pltpu.VMEM((L * NB,), jnp.float32),
            pltpu.VMEM((L * NB,), jnp.int32),
            pltpu.VMEM((L * NB,), jnp.float32),
            pltpu.VMEM((L * NB,), jnp.int32),
            pltpu.VMEM((6 * G,), jnp.float32),
            pltpu.SemaphoreType.DMA,
        ],
    )
    return kern(e1, e2, nk, batch, edge_index)


def _finish_body(x_ref, kn_ref, en_ref, ken_ref, een_ref, nzn_ref, nze_ref):
    tot = jnp.sum(x_ref[...], axis=0)
    sn = jnp.reshape(tot[0 * G:1 * G], (1, G))
    cn = jnp.reshape(tot[1 * G:2 * G], (1, G))
    nzn = jnp.reshape(tot[2 * G:3 * G], (1, G))
    se = jnp.reshape(tot[3 * G:4 * G], (1, G))
    ce = jnp.reshape(tot[4 * G:5 * G], (1, G))
    nze = jnp.reshape(tot[5 * G:6 * G], (1, G))
    eps = jnp.float32(1e-8)
    kn_ref[...] = sn + eps
    en_ref[...] = cn - sn + eps
    ken_ref[...] = se + eps
    een_ref[...] = ce - se + eps
    nzn_ref[...] = nzn / cn
    nze_ref[...] = nze / ce


def _finish_call(partial):
    return pl.pallas_call(
        _finish_body,
        out_shape=[jax.ShapeDtypeStruct((1, G), jnp.float32)] * 6,
    )(partial)


def kernel(x, node_rep, edge_index, batch, W_node, b_node, W_edge, b_edge):
    bcat = jnp.concatenate(
        [b_node, b_edge, jnp.zeros((4,), jnp.float32)]).reshape(8, 1)

    nk1, e1, e2 = _dense_call(node_rep, W_node, W_edge, bcat)

    ek, partial = _sc_call(e1, e2, nk1, batch, edge_index)

    kn, en, ken, een, nzn, nze = _finish_call(partial)
    return (nk1.reshape(N, 1), ek.reshape(E, 1),
            kn.reshape(G, 1), en.reshape(G, 1),
            ken.reshape(G, 1), een.reshape(G, 1),
            nzn.reshape(G, 1), nze.reshape(G, 1))

# --- scband reference (transcript-rebuilt; emitter-appended) ---
"""Pipeline reference for scband-graph-masker-33655363731848 (READ-ONLY COPY).

The authoritative reference and input builder live on the scoring server;
editing this copy changes nothing except your own understanding.
"""

import jax, jax.numpy as jnp
import numpy as np

N = 10000
E = 320000
D = 128
G = 256


def setup_inputs(seed: int = 0) -> dict:
    key = jax.random.key(seed)
    ks = jax.random.split(key, 8)
    x = jax.random.normal(ks[0], (N, D), dtype=jnp.float32)
    node_rep = jax.random.normal(ks[1], (N, D), dtype=jnp.float32)
    edge_index = jax.random.randint(ks[2], (2, E), 0, N, dtype=jnp.int32)
    batch = jnp.sort(jax.random.randint(ks[3], (N,), 0, G, dtype=jnp.int32))
    batch = batch.at[-1].set(G - 1)  # guarantee size == G
    # learned params of GraphMasker actually used in forward
    W_node = jax.random.normal(ks[4], (D, 2), dtype=jnp.float32) * 0.05
    b_node = jnp.zeros((2,), dtype=jnp.float32)
    W_edge = jax.random.normal(ks[5], (2 * D, 2), dtype=jnp.float32) * 0.05
    b_edge = jnp.zeros((2,), dtype=jnp.float32)
    return {"x": x, "node_rep": node_rep, "edge_index": edge_index, "batch": batch,
            "W_node": W_node, "b_node": b_node, "W_edge": W_edge, "b_edge": b_edge}


def _reg_mask(mask, seg, size):
    key_num = jax.ops.segment_sum(mask, seg, num_segments=size)
    env_num = jax.ops.segment_sum(1.0 - mask, seg, num_segments=size)
    non_zero = jax.ops.segment_sum((mask > 0).astype(jnp.float32), seg, num_segments=size)
    all_mask = jax.ops.segment_sum(jnp.ones_like(mask), seg, num_segments=size)
    non_zero_ratio = non_zero / all_mask
    return key_num + 1e-08, env_num + 1e-08, non_zero_ratio


def reference(x, node_rep, edge_index, batch, W_node, b_node, W_edge, b_edge):
    # size = batch[-1].item() + 1
    size = G
    row = edge_index[0]
    col = edge_index[1]
    # edge_rep = cat([node_rep[row], node_rep[col]], -1)  (gather-heavy)
    edge_rep = jnp.concatenate([jnp.take(node_rep, row, axis=0), jnp.take(node_rep, col, axis=0)], axis=-1)
    node_key = jax.nn.softmax(node_rep @ W_node + b_node, axis=-1)[:, 0:1]
    edge_key = jax.nn.softmax(edge_rep @ W_edge + b_edge, axis=-1)[:, 0:1]
    node_key_num, node_env_num, non_zero_node_ratio = _reg_mask(node_key, batch, size)
    edge_batch = jnp.take(batch, row, axis=0)
    edge_key_num, edge_env_num, non_zero_edge_ratio = _reg_mask(edge_key, edge_batch, size)
    return (node_key, edge_key, node_key_num, node_env_num, edge_key_num, edge_env_num,
            non_zero_node_ratio, non_zero_edge_ratio)

if __name__ == "__main__":
    import jax
    _d = setup_inputs()
    print(jax.jit(kernel)(*tuple(_d.values())))

</pallas_src>

<mosaic_0001>
#map = affine_map<(d0, d1) -> (0)>
#map1 = affine_map<(d0, d1) -> (0, 0)>
module attributes {stable_mosaic.version = 14 : i64} {
  func.func @_sc_body(%arg0: i32, %arg1: i32, %arg2: memref<10000xi32, #tpu.memory_space<hbm>>, %arg3: memref<10000xi32, #tpu.memory_space<hbm>>, %arg4: memref<10000xf32, #tpu.memory_space<hbm>>, %arg5: memref<10000xi32, #tpu.memory_space<hbm>>, %arg6: memref<2x320000xi32, #tpu.memory_space<hbm>>, %arg7: memref<1x320000xf32, #tpu.memory_space<hbm>>, %arg8: memref<32x1536xf32, #tpu.memory_space<hbm>>, %arg9: memref<10000xi32, #tpu.memory_space<vmem>>, %arg10: memref<10000xi32, #tpu.memory_space<vmem>>, %arg11: memref<10000xi32, #tpu.memory_space<vmem>>, %arg12: memref<320xf32, #tpu.memory_space<vmem>>, %arg13: memref<2x10240xi32, #tpu.memory_space<vmem>>, %arg14: memref<10240xf32, #tpu.memory_space<vmem>>, %arg15: memref<4096xf32, #tpu.memory_space<vmem>>, %arg16: memref<4096xi32, #tpu.memory_space<vmem>>, %arg17: memref<4096xf32, #tpu.memory_space<vmem>>, %arg18: memref<4096xi32, #tpu.memory_space<vmem>>, %arg19: memref<1536xf32, #tpu.memory_space<vmem>>, %arg20: memref<!tpu.dma_semaphore, #tpu.memory_space<semaphore_mem>>) attributes {dimension_semantics = [#tpu.dimension_semantics<core_parallel>, #tpu.dimension_semantics<subcore_parallel>], iteration_bounds = array<i64: 2, 16>, scalar_prefetch = 0 : i64, scratch_operands = 12 : i64, tpu.core_type = #tpu.core_type<sc_vector_subcore>, window_params = [{transform_indices = #map}, {transform_indices = #map}, {transform_indices = #map}, {transform_indices = #map}, {transform_indices = #map1}, {transform_indices = #map1}, {transform_indices = #map1}]} {
    %mul3A = arith.constant 2 : i32
    %mul3A_0 = arith.muli %arg1, %mul3A : i32
    %add3A = arith.addi %mul3A_0, %arg0 : i32
    %eq3A = arith.constant 31 : i32
    %eq3A_1 = arith.cmpi eq, %add3A, %eq3A : i32
    tpu.enqueue_dma source(%arg2 : memref<10000xi32, #tpu.memory_space<hbm>>) target(%arg9 : memref<10000xi32, #tpu.memory_space<vmem>>) target_semaphore(%arg20 : memref<!tpu.dma_semaphore, #tpu.memory_space<semaphore_mem>>)
    tpu.enqueue_dma source(%arg3 : memref<10000xi32, #tpu.memory_space<hbm>>) target(%arg10 : memref<10000xi32, #tpu.memory_space<vmem>>) target_semaphore(%arg20 : memref<!tpu.dma_semaphore, #tpu.memory_space<semaphore_mem>>)
    tpu.enqueue_dma source(%arg5 : memref<10000xi32, #tpu.memory_space<hbm>>) target(%arg11 : memref<10000xi32, #tpu.memory_space<vmem>>) target_semaphore(%arg20 : memref<!tpu.dma_semaphore, #tpu.memory_space<semaphore_mem>>)
    %not3A = arith.constant true
    %not3A_2 = arith.xori %eq3A_1, %not3A : i1
    %convert_element_type3A = arith.extui %not3A_2 : i1 to i32
    %cond3A = arith.constant 0 : i32
    %cond3A_3 = arith.cmpi ne, %convert_element_type3A, %cond3A : i32
    scf.if %cond3A_3 {
      %mul3A_54 = arith.constant 10240 : i32
      %mul3A_55 = arith.muli %add3A, %mul3A_54 : i32
      "tpu.region"() ({
        %run_scoped3A = tpu.sem_alloc : memref<!tpu.dma_semaphore, #tpu.memory_space<semaphore_mem>>
        %dma_start3A = arith.constant 0 : i32
        %dma_start3A_56 = tpu.memref_slice %arg6[%dma_start3A, %mul3A_55] : memref<2x320000xi32, #tpu.memory_space<hbm>> -> memref<2x10240xi32, #tpu.memory_space<hbm>>
        %dma_start3A_57 = arith.constant 0 : i32
        %dma_start3A_58 = tpu.memref_slice %arg6[%dma_start3A_57, %mul3A_55] : memref<2x320000xi32, #tpu.memory_space<hbm>> -> memref<2x10240xi32, #tpu.memory_space<hbm>>
        tpu.enqueue_dma source(%dma_start3A_58 : memref<2x10240xi32, #tpu.memory_space<hbm>>) target(%arg13 : memref<2x10240xi32, #tpu.memory_space<vmem>>) target_semaphore(%run_scoped3A : memref<!tpu.dma_semaphore, #tpu.memory_space<semaphore_mem>>)
        %dma_wait3A = arith.constant 0 : i32
        %dma_wait3A_59 = tpu.memref_slice %arg6[%dma_wait3A, %mul3A_55] : memref<2x320000xi32, #tpu.memory_space<hbm>> -> memref<2x10240xi32, #tpu.memory_space<hbm>>
        %dma_wait3A_60 = arith.constant 0 : i32
        %dma_wait3A_61 = tpu.memref_slice %arg6[%dma_wait3A_60, %mul3A_55] : memref<2x320000xi32, #tpu.memory_space<hbm>> -> memref<2x10240xi32, #tpu.memory_space<hbm>>
        tpu.wait_dma2 semaphore(%run_scoped3A : memref<!tpu.dma_semaphore, #tpu.memory_space<semaphore_mem>>) src(%dma_wait3A_61 : memref<2x10240xi32, #tpu.memory_space<hbm>>) dst(%arg13 : memref<2x10240xi32, #tpu.memory_space<vmem>>)
        tpu.yield
      }) : () -> ()
    } else {
    }
    %convert_element_type3A_4 = arith.extui %eq3A_1 : i1 to i32
    %cond3A_5 = arith.constant 0 : i32
    %cond3A_6 = arith.cmpi ne, %convert_element_type3A_4, %cond3A_5 : i32
    scf.if %cond3A_6 {
      "tpu.region"() ({
        %run_scoped3A = tpu.sem_alloc : memref<!tpu.dma_semaphore, #tpu.memory_space<semaphore_mem>>
        %dma_start3A = arith.constant 0 : i32
        %dma_start3A_54 = arith.constant 0 : i32
        %dma_start3A_55 = tpu.memref_slice %arg13[%dma_start3A, %dma_start3A_54] : memref<2x10240xi32, #tpu.memory_space<vmem>> -> memref<2x2560xi32, #tpu.memory_space<vmem>>
        %dma_start3A_56 = arith.constant 0 : i32
        %dma_start3A_57 = arith.constant 317440 : i32
        %dma_start3A_58 = tpu.memref_slice %arg6[%dma_start3A_56, %dma_start3A_57] : memref<2x320000xi32, #tpu.memory_space<hbm>> -> memref<2x2560xi32, #tpu.memory_space<hbm>>
        %dma_start3A_59 = arith.constant 0 : i32
        %dma_start3A_60 = arith.constant 0 : i32
        %dma_start3A_61 = tpu.memref_slice %arg13[%dma_start3A_59, %dma_start3A_60] : memref<2x10240xi32, #tpu.memory_space<vmem>> -> memref<2x2560xi32, #tpu.memory_space<vmem>>
        %dma_start3A_62 = arith.constant 0 : i32
        %dma_start3A_63 = arith.constant 317440 : i32
        %dma_start3A_64 = tpu.memref_slice %arg6[%dma_start3A_62, %dma_start3A_63] : memref<2x320000xi32, #tpu.memory_space<hbm>> -> memref<2x2560xi32, #tpu.memory_space<hbm>>
        tpu.enqueue_dma source(%dma_start3A_64 : memref<2x2560xi32, #tpu.memory_space<hbm>>) target(%dma_start3A_61 : memref<2x2560xi32, #tpu.memory_space<vmem>>) target_semaphore(%run_scoped3A : memref<!tpu.dma_semaphore, #tpu.memory_space<semaphore_mem>>)
        %dma_wait3A = arith.constant 0 : i32
        %dma_wait3A_65 = arith.constant 0 : i32
        %dma_wait3A_66 = tpu.memref_slice %arg13[%dma_wait3A, %dma_wait3A_65] : memref<2x10240xi32, #tpu.memory_space<vmem>> -> memref<2x2560xi32, #tpu.memory_space<vmem>>
        %dma_wait3A_67 = arith.constant 0 : i32
        %dma_wait3A_68 = arith.constant 317440 : i32
        %dma_wait3A_69 = tpu.memref_slice %arg6[%dma_wait3A_67, %dma_wait3A_68] : memref<2x320000xi32, #tpu.memory_space<hbm>> -> memref<2x2560xi32, #tpu.memory_space<hbm>>
        %dma_wait3A_70 = arith.constant 0 : i32
        %dma_wait3A_71 = arith.constant 0 : i32
        %dma_wait3A_72 = tpu.memref_slice %arg13[%dma_wait3A_70, %dma_wait3A_71] : memref<2x10240xi32, #tpu.memory_space<vmem>> -> memref<2x2560xi32, #tpu.memory_space<vmem>>
        %dma_wait3A_73 = arith.constant 0 : i32
        %dma_wait3A_74 = arith.constant 317440 : i32
        %dma_wait3A_75 = tpu.memref_slice %arg6[%dma_wait3A_73, %dma_wait3A_74] : memref<2x320000xi32, #tpu.memory_space<hbm>> -> memref<2x2560xi32, #tpu.memory_space<hbm>>
        tpu.wait_dma2 semaphore(%run_scoped3A : memref<!tpu.dma_semaphore, #tpu.memory_space<semaphore_mem>>) src(%dma_wait3A_75 : memref<2x2560xi32, #tpu.memory_space<hbm>>) dst(%dma_wait3A_72 : memref<2x2560xi32, #tpu.memory_space<vmem>>)
        tpu.yield
      }) : () -> ()
    } else {
    }
    %broadcast_in_dim3A = arith.constant 0.000000e+00 : f32
    %broadcast_in_dim3A_7 = vector.broadcast %broadcast_in_dim3A : f32 to vector<16xf32>
    %broadcast_in_dim3A_8 = arith.constant 1.000000e+00 : f32
    %broadcast_in_dim3A_9 = vector.broadcast %broadcast_in_dim3A_8 : f32 to vector<16xf32>
    %iota3A = tpu.iota {dimensions = array<i32: 0>} : vector<16xi32>
    %broadcast_in_dim3A_10 = arith.constant -65536 : i32
    %broadcast_in_dim3A_11 = vector.broadcast %broadcast_in_dim3A_10 : i32 to vector<16xi32>
    %broadcast_in_dim3A_12 = arith.constant 0 : i32
    %broadcast_in_dim3A_13 = vector.broadcast %broadcast_in_dim3A_12 : i32 to vector<16xi32>
    %parallel_loop3A = arith.constant 0 : i32
    %parallel_loop3A_14 = arith.constant 256 : i32
    %parallel_loop3A_15 = arith.constant 1 : i32
    scf.for %parallel_loop3A_54 = %parallel_loop3A to %parallel_loop3A_14 step %parallel_loop3A_15  : i32 {
      %parallel_loop3A_55 = arith.constant 16 : i32
      %parallel_loop3A_56 = arith.muli %parallel_loop3A_54, %parallel_loop3A_55 : i32
      %parallel_loop3A_57 = arith.index_cast %parallel_loop3A_56 : i32 to index
      %parallel_loop3A_58 = tpu.vector_load %arg17[%parallel_loop3A_57] {strides = array<i32>} : memref<4096xf32, #tpu.memory_space<vmem>>, vector<16xf32>,
      tpu.vector_store %arg17[%parallel_loop3A_57], %broadcast_in_dim3A_7 {strides = array<i32>} : memref<4096xf32, #tpu.memory_space<vmem>>, vector<16xf32>,
      %parallel_loop3A_59 = arith.index_cast %parallel_loop3A_56 : i32 to index
      %parallel_loop3A_60 = tpu.vector_load %arg18[%parallel_loop3A_59] {strides = array<i32>} : memref<4096xi32, #tpu.memory_space<vmem>>, vector<16xi32>,
      tpu.vector_store %arg18[%parallel_loop3A_59], %broadcast_in_dim3A_13 {strides = array<i32>} : memref<4096xi32, #tpu.memory_space<vmem>>, vector<16xi32>,
      %parallel_loop3A_61 = arith.index_cast %parallel_loop3A_56 : i32 to index
      %parallel_loop3A_62 = tpu.vector_load %arg15[%parallel_loop3A_61] {strides = array<i32>} : memref<4096xf32, #tpu.memory_space<vmem>>, vector<16xf32>,
      tpu.vector_store %arg15[%parallel_loop3A_61], %broadcast_in_dim3A_7 {strides = array<i32>} : memref<4096xf32, #tpu.memory_space<vmem>>, vector<16xf32>,
      %parallel_loop3A_63 = arith.index_cast %parallel_loop3A_56 : i32 to index
      %parallel_loop3A_64 = tpu.vector_load %arg16[%parallel_loop3A_63] {strides = array<i32>} : memref<4096xi32, #tpu.memory_space<vmem>>, vector<16xi32>,
      tpu.vector_store %arg16[%parallel_loop3A_63], %broadcast_in_dim3A_13 {strides = array<i32>} : memref<4096xi32, #tpu.memory_space<vmem>>, vector<16xi32>,
    } {sc.loop_unroll_factor = 8 : i64, sc.parallel_access}
    tpu.wait_dma2 semaphore(%arg20 : memref<!tpu.dma_semaphore, #tpu.memory_space<semaphore_mem>>) src(%arg2 : memref<10000xi32, #tpu.memory_space<hbm>>) dst(%arg9 : memref<10000xi32, #tpu.memory_space<vmem>>)
    tpu.wait_dma2 semaphore(%arg20 : memref<!tpu.dma_semaphore, #tpu.memory_space<semaphore_mem>>) src(%arg3 : memref<10000xi32, #tpu.memory_space<hbm>>) dst(%arg10 : memref<10000xi32, #tpu.memory_space<vmem>>)
    tpu.wait_dma2 semaphore(%arg20 : memref<!tpu.dma_semaphore, #tpu.memory_space<semaphore_mem>>) src(%arg5 : memref<10000xi32, #tpu.memory_space<hbm>>) dst(%arg11 : memref<10000xi32, #tpu.memory_space<vmem>>)
    %jit3A = arith.constant 160 : i32
    %jit3A_16 = arith.constant 640 : i32
    %select_n3A = arith.select %eq3A_1, %jit3A, %jit3A_16 : i32
    %parallel_loop3A_17 = arith.constant 0 : i32
    %parallel_loop3A_18 = arith.constant 1 : i32
    scf.for %parallel_loop3A_54 = %parallel_loop3A_17 to %select_n3A step %parallel_loop3A_18  : i32 {
      %parallel_loop3A_55 = arith.constant 16 : i32
      %parallel_loop3A_56 = arith.muli %parallel_loop3A_54, %parallel_loop3A_55 : i32
      %parallel_loop3A_57 = arith.constant 0 : i32
      %parallel_loop3A_58 = arith.index_cast %parallel_loop3A_57 : i32 to index
      %parallel_loop3A_59 = arith.index_cast %parallel_loop3A_56 : i32 to index
      %parallel_loop3A_60 = tpu.vector_load %arg13[%parallel_loop3A_58, %parallel_loop3A_59] {strides = array<i32>} : memref<2x10240xi32, #tpu.memory_space<vmem>>, vector<16xi32>,
      %parallel_loop3A_61 = arith.constant 1 : i32
      %parallel_loop3A_62 = arith.index_cast %parallel_loop3A_61 : i32 to index
      %parallel_loop3A_63 = arith.index_cast %parallel_loop3A_56 : i32 to index
      %parallel_loop3A_64 = tpu.vector_load %arg13[%parallel_loop3A_62, %parallel_loop3A_63] {strides = array<i32>} : memref<2x10240xi32, #tpu.memory_space<vmem>>, vector<16xi32>,
      %parallel_loop3A_65 = tpu.vector_load_idx %arg9[%parallel_loop3A_60] : memref<10000xi32, #tpu.memory_space<vmem>>[vector<16xi32>], vector<16xi32>,
      %parallel_loop3A_66 = tpu.vector_load_idx %arg10[%parallel_loop3A_64] : memref<10000xi32, #tpu.memory_space<vmem>>[vector<16xi32>], vector<16xi32>,
      %parallel_loop3A_67 = arith.andi %parallel_loop3A_65, %broadcast_in_dim3A_11 : vector<16xi32>
      %parallel_loop3A_68 = vector.bitcast %parallel_loop3A_67 : vector<16xi32> to vector<16xf32>
      %parallel_loop3A_69 = arith.constant 16 : i32
      %parallel_loop3A_70 = vector.broadcast %parallel_loop3A_69 : i32 to vector<16xi32>
      %parallel_loop3A_71 = arith.shli %parallel_loop3A_65, %parallel_loop3A_70 : vector<16xi32>
      %parallel_loop3A_72 = vector.bitcast %parallel_loop3A_71 : vector<16xi32> to vector<16xf32>
      %parallel_loop3A_73 = arith.andi %parallel_loop3A_66, %broadcast_in_dim3A_11 : vector<16xi32>
      %parallel_loop3A_74 = vector.bitcast %parallel_loop3A_73 : vector<16xi32> to vector<16xf32>
      %parallel_loop3A_75 = arith.constant 16 : i32
      %parallel_loop3A_76 = vector.broadcast %parallel_loop3A_75 : i32 to vector<16xi32>
      %parallel_loop3A_77 = arith.shli %parallel_loop3A_66, %parallel_loop3A_76 : vector<16xi32>
      %parallel_loop3A_78 = vector.bitcast %parallel_loop3A_77 : vector<16xi32> to vector<16xf32>
      %parallel_loop3A_79 = arith.addf %parallel_loop3A_68, %parallel_loop3A_74 : vector<16xf32>
      %parallel_loop3A_80 = arith.addf %parallel_loop3A_72, %parallel_loop3A_78 : vector<16xf32>
      %parallel_loop3A_81 = arith.maximumf %parallel_loop3A_79, %parallel_loop3A_80 : vector<16xf32>
      %parallel_loop3A_82 = arith.subf %parallel_loop3A_79, %parallel_loop3A_81 : vector<16xf32>
      %parallel_loop3A_83 = math.exp %parallel_loop3A_82 : vector<16xf32>
      %parallel_loop3A_84 = arith.subf %parallel_loop3A_80, %parallel_loop3A_81 : vector<16xf32>
      %parallel_loop3A_85 = math.exp %parallel_loop3A_84 : vector<16xf32>
      %parallel_loop3A_86 = arith.addf %parallel_loop3A_83, %parallel_loop3A_85 : vector<16xf32>
      %parallel_loop3A_87 = arith.divf %parallel_loop3A_83, %parallel_loop3A_86 : vector<16xf32>
      %parallel_loop3A_88 = arith.index_cast %parallel_loop3A_56 : i32 to index
      %parallel_loop3A_89 = tpu.vector_load %arg14[%parallel_loop3A_88] {strides = array<i32>} : memref<10240xf32, #tpu.memory_space<vmem>>, vector<16xf32>,
      tpu.vector_store %arg14[%parallel_loop3A_88], %parallel_loop3A_87 {strides = array<i32>} : memref<10240xf32, #tpu.memory_space<vmem>>, vector<16xf32>,
      %parallel_loop3A_90 = tpu.vector_load_idx %arg11[%parallel_loop3A_60] : memref<10000xi32, #tpu.memory_space<vmem>>[vector<16xi32>], vector<16xi32>,
      %parallel_loop3A_91 = arith.constant 256 : i32
      %parallel_loop3A_92 = vector.broadcast %parallel_loop3A_91 : i32 to vector<16xi32>
      %parallel_loop3A_93 = arith.muli %iota3A, %parallel_loop3A_92 : vector<16xi32>
      %parallel_loop3A_94 = arith.addi %parallel_loop3A_93, %parallel_loop3A_90 : vector<16xi32>
      tpu.vector_store_idx %arg17[%parallel_loop3A_94], %parallel_loop3A_87 {add = true} : memref<4096xf32, #tpu.memory_space<vmem>>[vector<16xi32>], vector<16xf32>,
      %parallel_loop3A_95 = arith.constant 0.000000e+00 : f32
      %parallel_loop3A_96 = vector.broadcast %parallel_loop3A_95 : f32 to vector<16xf32>
      %parallel_loop3A_97 = arith.cmpf ogt, %parallel_loop3A_87, %parallel_loop3A_96 : vector<16xf32>
      %parallel_loop3A_98 = arith.constant 65537 : i32
      %parallel_loop3A_99 = vector.broadcast %parallel_loop3A_98 : i32 to vector<16xi32>
      %parallel_loop3A_100 = arith.constant 65536 : i32
      %parallel_loop3A_101 = vector.broadcast %parallel_loop3A_100 : i32 to vector<16xi32>
      %parallel_loop3A_102 = arith.select %parallel_loop3A_97, %parallel_loop3A_99, %parallel_loop3A_101 : vector<16xi1>, vector<16xi32>
      tpu.vector_store_idx %arg18[%parallel_loop3A_94], %parallel_loop3A_102 {add = true} : memref<4096xi32, #tpu.memory_space<vmem>>[vector<16xi32>], vector<16xi32>,
    } {sc.loop_unroll_factor = 8 : i64, sc.parallel_access}
    %not3A_19 = arith.constant true
    %not3A_20 = arith.xori %eq3A_1, %not3A_19 : i1
    %convert_element_type3A_21 = arith.extui %not3A_20 : i1 to i32
    %cond3A_22 = arith.constant 0 : i32
    %cond3A_23 = arith.cmpi ne, %convert_element_type3A_21, %cond3A_22 : i32
    scf.if %cond3A_23 {
      %mul3A_54 = arith.constant 10240 : i32
      %mul3A_55 = arith.muli %add3A, %mul3A_54 : i32
      %run_scoped3A = arith.constant 0 : i32
      "tpu.region"() ({
        %run_scoped3A_56 = tpu.sem_alloc : memref<!tpu.dma_semaphore, #tpu.memory_space<semaphore_mem>>
        %dma_start3A = tpu.memref_slice %arg7[%run_scoped3A, %mul3A_55] : memref<1x320000xf32, #tpu.memory_space<hbm>> -> memref<1x10240xf32, #tpu.memory_space<hbm>>
        %dma_start3A_57 = tpu.memref_squeeze %dma_start3A : memref<1x10240xf32, #tpu.memory_space<hbm>> -> memref<10240xf32, #tpu.memory_space<hbm>>
        %dma_start3A_58 = tpu.memref_slice %arg7[%run_scoped3A, %mul3A_55] : memref<1x320000xf32, #tpu.memory_space<hbm>> -> memref<1x10240xf32, #tpu.memory_space<hbm>>
        %dma_start3A_59 = tpu.memref_squeeze %dma_start3A_58 : memref<1x10240xf32, #tpu.memory_space<hbm>> -> memref<10240xf32, #tpu.memory_space<hbm>>
        tpu.enqueue_dma source(%arg14 : memref<10240xf32, #tpu.memory_space<vmem>>) target(%dma_start3A_59 : memref<10240xf32, #tpu.memory_space<hbm>>) target_semaphore(%run_scoped3A_56 : memref<!tpu.dma_semaphore, #tpu.memory_space<semaphore_mem>>)
        %dma_wait3A = tpu.memref_slice %arg7[%run_scoped3A, %mul3A_55] : memref<1x320000xf32, #tpu.memory_space<hbm>> -> memref<1x10240xf32, #tpu.memory_space<hbm>>
        %dma_wait3A_60 = tpu.memref_squeeze %dma_wait3A : memref<1x10240xf32, #tpu.memory_space<hbm>> -> memref<10240xf32, #tpu.memory_space<hbm>>
        %dma_wait3A_61 = tpu.memref_slice %arg7[%run_scoped3A, %mul3A_55] : memref<1x320000xf32, #tpu.memory_space<hbm>> -> memref<1x10240xf32, #tpu.memory_space<hbm>>
        %dma_wait3A_62 = tpu.memref_squeeze %dma_wait3A_61 : memref<1x10240xf32, #tpu.memory_space<hbm>> -> memref<10240xf32, #tpu.memory_space<hbm>>
        tpu.wait_dma2 semaphore(%run_scoped3A_56 : memref<!tpu.dma_semaphore, #tpu.memory_space<semaphore_mem>>) src(%arg14 : memref<10240xf32, #tpu.memory_space<vmem>>) dst(%dma_wait3A_62 : memref<10240xf32, #tpu.memory_space<hbm>>)
        tpu.yield
      }) : () -> ()
    } else {
    }
    %convert_element_type3A_24 = arith.extui %eq3A_1 : i1 to i32
    %cond3A_25 = arith.constant 0 : i32
    %cond3A_26 = arith.cmpi ne, %convert_element_type3A_24, %cond3A_25 : i32
    scf.if %cond3A_26 {
      %run_scoped3A = arith.constant 0 : i32
      "tpu.region"() ({
        %run_scoped3A_54 = tpu.sem_alloc : memref<!tpu.dma_semaphore, #tpu.memory_space<semaphore_mem>>
        %dma_start3A = arith.constant 0 : i32
        %dma_start3A_55 = tpu.memref_slice %arg14[%dma_start3A] : memref<10240xf32, #tpu.memory_space<vmem>> -> memref<2560xf32, #tpu.memory_space<vmem>>
        %dma_start3A_56 = arith.constant 317440 : i32
        %dma_start3A_57 = tpu.memref_slice %arg7[%run_scoped3A, %dma_start3A_56] : memref<1x320000xf32, #tpu.memory_space<hbm>> -> memref<1x2560xf32, #tpu.memory_space<hbm>>
        %dma_start3A_58 = tpu.memref_squeeze %dma_start3A_57 : memref<1x2560xf32, #tpu.memory_space<hbm>> -> memref<2560xf32, #tpu.memory_space<hbm>>
        %dma_start3A_59 = arith.constant 317440 : i32
        %dma_start3A_60 = tpu.memref_slice %arg7[%run_scoped3A, %dma_start3A_59] : memref<1x320000xf32, #tpu.memory_space<hbm>> -> memref<1x2560xf32, #tpu.memory_space<hbm>>
        %dma_start3A_61 = tpu.memref_squeeze %dma_start3A_60 : memref<1x2560xf32, #tpu.memory_space<hbm>> -> memref<2560xf32, #tpu.memory_space<hbm>>
        %dma_start3A_62 = arith.constant 0 : i32
        %dma_start3A_63 = tpu.memref_slice %arg14[%dma_start3A_62] : memref<10240xf32, #tpu.memory_space<vmem>> -> memref<2560xf32, #tpu.memory_space<vmem>>
        tpu.enqueue_dma source(%dma_start3A_63 : memref<2560xf32, #tpu.memory_space<vmem>>) target(%dma_start3A_61 : memref<2560xf32, #tpu.memory_space<hbm>>) target_semaphore(%run_scoped3A_54 : memref<!tpu.dma_semaphore, #tpu.memory_space<semaphore_mem>>)
        %dma_wait3A = arith.constant 0 : i32
        %dma_wait3A_64 = tpu.memref_slice %arg14[%dma_wait3A] : memref<10240xf32, #tpu.memory_space<vmem>> -> memref<2560xf32, #tpu.memory_space<vmem>>
        %dma_wait3A_65 = arith.constant 317440 : i32
        %dma_wait3A_66 = tpu.memref_slice %arg7[%run_scoped3A, %dma_wait3A_65] : memref<1x320000xf32, #tpu.memory_space<hbm>> -> memref<1x2560xf32, #tpu.memory_space<hbm>>
        %dma_wait3A_67 = tpu.memref_squeeze %dma_wait3A_66 : memref<1x2560xf32, #tpu.memory_space<hbm>> -> memref<2560xf32, #tpu.memory_space<hbm>>
        %dma_wait3A_68 = arith.constant 317440 : i32
        %dma_wait3A_69 = tpu.memref_slice %arg7[%run_scoped3A, %dma_wait3A_68] : memref<1x320000xf32, #tpu.memory_space<hbm>> -> memref<1x2560xf32, #tpu.memory_space<hbm>>
        %dma_wait3A_70 = tpu.memref_squeeze %dma_wait3A_69 : memref<1x2560xf32, #tpu.memory_space<hbm>> -> memref<2560xf32, #tpu.memory_space<hbm>>
        %dma_wait3A_71 = arith.constant 0 : i32
        %dma_wait3A_72 = tpu.memref_slice %arg14[%dma_wait3A_71] : memref<10240xf32, #tpu.memory_space<vmem>> -> memref<2560xf32, #tpu.memory_space<vmem>>
        tpu.wait_dma2 semaphore(%run_scoped3A_54 : memref<!tpu.dma_semaphore, #tpu.memory_space<semaphore_mem>>) src(%dma_wait3A_72 : memref<2560xf32, #tpu.memory_space<vmem>>) dst(%dma_wait3A_70 : memref<2560xf32, #tpu.memory_space<hbm>>)
        tpu.yield
      }) : () -> ()
    } else {
    }
    %not3A_27 = arith.constant true
    %not3A_28 = arith.xori %eq3A_1, %not3A_27 : i1
    %convert_element_type3A_29 = arith.extui %not3A_28 : i1 to i32
    %cond3A_30 = arith.constant 0 : i32
    %cond3A_31 = arith.cmpi ne, %convert_element_type3A_29, %cond3A_30 : i32
    scf.if %cond3A_31 {
      %mul3A_54 = arith.constant 320 : i32
      %mul3A_55 = arith.muli %add3A, %mul3A_54 : i32
      "tpu.region"() ({
        %run_scoped3A = tpu.sem_alloc : memref<!tpu.dma_semaphore, #tpu.memory_space<semaphore_mem>>
        %dma_start3A = tpu.memref_slice %arg4[%mul3A_55] : memref<10000xf32, #tpu.memory_space<hbm>> -> memref<320xf32, #tpu.memory_space<hbm>>
        %dma_start3A_56 = tpu.memref_slice %arg4[%mul3A_55] : memref<10000xf32, #tpu.memory_space<hbm>> -> memref<320xf32, #tpu.memory_space<hbm>>
        tpu.enqueue_dma source(%dma_start3A_56 : memref<320xf32, #tpu.memory_space<hbm>>) target(%arg12 : memref<320xf32, #tpu.memory_space<vmem>>) target_semaphore(%run_scoped3A : memref<!tpu.dma_semaphore, #tpu.memory_space<semaphore_mem>>)
        %dma_wait3A = tpu.memref_slice %arg4[%mul3A_55] : memref<10000xf32, #tpu.memory_space<hbm>> -> memref<320xf32, #tpu.memory_space<hbm>>
        %dma_wait3A_57 = tpu.memref_slice %arg4[%mul3A_55] : memref<10000xf32, #tpu.memory_space<hbm>> -> memref<320xf32, #tpu.memory_space<hbm>>
        tpu.wait_dma2 semaphore(%run_scoped3A : memref<!tpu.dma_semaphore, #tpu.memory_space<semaphore_mem>>) src(%dma_wait3A_57 : memref<320xf32, #tpu.memory_space<hbm>>) dst(%arg12 : memref<320xf32, #tpu.memory_space<vmem>>)
        tpu.yield
      }) : () -> ()
    } else {
    }
    %convert_element_type3A_32 = arith.extui %eq3A_1 : i1 to i32
    %cond3A_33 = arith.constant 0 : i32
    %cond3A_34 = arith.cmpi ne, %convert_element_type3A_32, %cond3A_33 : i32
    scf.if %cond3A_34 {
      "tpu.region"() ({
        %run_scoped3A = tpu.sem_alloc : memref<!tpu.dma_semaphore, #tpu.memory_space<semaphore_mem>>
        %dma_start3A = arith.constant 0 : i32
        %dma_start3A_54 = tpu.memref_slice %arg12[%dma_start3A] : memref<320xf32, #tpu.memory_space<vmem>> -> memref<80xf32, #tpu.memory_space<vmem>>
        %dma_start3A_55 = arith.constant 9920 : i32
        %dma_start3A_56 = tpu.memref_slice %arg4[%dma_start3A_55] : memref<10000xf32, #tpu.memory_space<hbm>> -> memref<80xf32, #tpu.memory_space<hbm>>
        %dma_start3A_57 = arith.constant 0 : i32
        %dma_start3A_58 = tpu.memref_slice %arg12[%dma_start3A_57] : memref<320xf32, #tpu.memory_space<vmem>> -> memref<80xf32, #tpu.memory_space<vmem>>
        %dma_start3A_59 = arith.constant 9920 : i32
        %dma_start3A_60 = tpu.memref_slice %arg4[%dma_start3A_59] : memref<10000xf32, #tpu.memory_space<hbm>> -> memref<80xf32, #tpu.memory_space<hbm>>
        tpu.enqueue_dma source(%dma_start3A_60 : memref<80xf32, #tpu.memory_space<hbm>>) target(%dma_start3A_58 : memref<80xf32, #tpu.memory_space<vmem>>) target_semaphore(%run_scoped3A : memref<!tpu.dma_semaphore, #tpu.memory_space<semaphore_mem>>)
        %dma_wait3A = arith.constant 0 : i32
        %dma_wait3A_61 = tpu.memref_slice %arg12[%dma_wait3A] : memref<320xf32, #tpu.memory_space<vmem>> -> memref<80xf32, #tpu.memory_space<vmem>>
        %dma_wait3A_62 = arith.constant 9920 : i32
        %dma_wait3A_63 = tpu.memref_slice %arg4[%dma_wait3A_62] : memref<10000xf32, #tpu.memory_space<hbm>> -> memref<80xf32, #tpu.memory_space<hbm>>
        %dma_wait3A_64 = arith.constant 0 : i32
        %dma_wait3A_65 = tpu.memref_slice %arg12[%dma_wait3A_64] : memref<320xf32, #tpu.memory_space<vmem>> -> memref<80xf32, #tpu.memory_space<vmem>>
        %dma_wait3A_66 = arith.constant 9920 : i32
        %dma_wait3A_67 = tpu.memref_slice %arg4[%dma_wait3A_66] : memref<10000xf32, #tpu.memory_space<hbm>> -> memref<80xf32, #tpu.memory_space<hbm>>
        tpu.wait_dma2 semaphore(%run_scoped3A : memref<!tpu.dma_semaphore, #tpu.memory_space<semaphore_mem>>) src(%dma_wait3A_67 : memref<80xf32, #tpu.memory_space<hbm>>) dst(%dma_wait3A_65 : memref<80xf32, #tpu.memory_space<vmem>>)
        tpu.yield
      }) : () -> ()
    } else {
    }
    %jit3A_35 = arith.constant 5 : i32
    %jit3A_36 = arith.constant 20 : i32
    %select_n3A_37 = arith.select %eq3A_1, %jit3A_35, %jit3A_36 : i32
    %parallel_loop3A_38 = arith.constant 0 : i32
    %parallel_loop3A_39 = arith.constant 1 : i32
    scf.for %parallel_loop3A_54 = %parallel_loop3A_38 to %select_n3A_37 step %parallel_loop3A_39  : i32 {
      %parallel_loop3A_55 = arith.constant 16 : i32
      %parallel_loop3A_56 = arith.muli %parallel_loop3A_54, %parallel_loop3A_55 : i32
      %parallel_loop3A_57 = arith.index_cast %parallel_loop3A_56 : i32 to index
      %parallel_loop3A_58 = tpu.vector_load %arg12[%parallel_loop3A_57] {strides = array<i32>} : memref<320xf32, #tpu.memory_space<vmem>>, vector<16xf32>,
      %parallel_loop3A_59 = arith.constant 320 : i32
      %parallel_loop3A_60 = arith.muli %add3A, %parallel_loop3A_59 : i32
      %parallel_loop3A_61 = arith.constant 16 : i32
      %parallel_loop3A_62 = arith.muli %parallel_loop3A_54, %parallel_loop3A_61 : i32
      %parallel_loop3A_63 = arith.addi %parallel_loop3A_60, %parallel_loop3A_62 : i32
      %parallel_loop3A_64 = arith.index_cast %parallel_loop3A_63 : i32 to index
      %parallel_loop3A_65 = tpu.vector_load %arg11[%parallel_loop3A_64] {strides = array<i32>} : memref<10000xi32, #tpu.memory_space<vmem>>, vector<16xi32>,
      %parallel_loop3A_66 = arith.constant 256 : i32
      %parallel_loop3A_67 = vector.broadcast %parallel_loop3A_66 : i32 to vector<16xi32>
      %parallel_loop3A_68 = arith.muli %iota3A, %parallel_loop3A_67 : vector<16xi32>
      %parallel_loop3A_69 = arith.addi %parallel_loop3A_68, %parallel_loop3A_65 : vector<16xi32>
      tpu.vector_store_idx %arg15[%parallel_loop3A_69], %parallel_loop3A_58 {add = true} : memref<4096xf32, #tpu.memory_space<vmem>>[vector<16xi32>], vector<16xf32>,
      %parallel_loop3A_70 = arith.constant 0.000000e+00 : f32
      %parallel_loop3A_71 = vector.broadcast %parallel_loop3A_70 : f32 to vector<16xf32>
      %parallel_loop3A_72 = arith.cmpf ogt, %parallel_loop3A_58, %parallel_loop3A_71 : vector<16xf32>
      %parallel_loop3A_73 = arith.constant 65537 : i32
      %parallel_loop3A_74 = vector.broadcast %parallel_loop3A_73 : i32 to vector<16xi32>
      %parallel_loop3A_75 = arith.constant 65536 : i32
      %parallel_loop3A_76 = vector.broadcast %parallel_loop3A_75 : i32 to vector<16xi32>
      %parallel_loop3A_77 = arith.select %parallel_loop3A_72, %parallel_loop3A_74, %parallel_loop3A_76 : vector<16xi1>, vector<16xi32>
      tpu.vector_store_idx %arg16[%parallel_loop3A_69], %parallel_loop3A_77 {add = true} : memref<4096xi32, #tpu.memory_space<vmem>>[vector<16xi32>], vector<16xi32>,
    } {sc.loop_unroll_factor = 1 : i64, sc.parallel_access}
    %broadcast_in_dim3A_40 = arith.constant 65535 : i32
    %broadcast_in_dim3A_41 = vector.broadcast %broadcast_in_dim3A_40 : i32 to vector<16xi32>
    %parallel_loop3A_42 = arith.constant 0 : i32
    %parallel_loop3A_43 = arith.constant 16 : i32
    %parallel_loop3A_44 = arith.constant 1 : i32
    scf.for %parallel_loop3A_54 = %parallel_loop3A_42 to %parallel_loop3A_43 step %parallel_loop3A_44  : i32 {
      %parallel_loop3A_55 = arith.constant 16 : i32
      %parallel_loop3A_56 = arith.muli %parallel_loop3A_54, %parallel_loop3A_55 : i32
      %parallel_loop3A_57 = arith.constant 0 : i32
      %parallel_loop3A_58 = arith.addi %parallel_loop3A_57, %parallel_loop3A_56 : i32
      %parallel_loop3A_59 = arith.index_cast %parallel_loop3A_58 : i32 to index
      %parallel_loop3A_60 = tpu.vector_load %arg15[%parallel_loop3A_59] {strides = array<i32>} : memref<4096xf32, #tpu.memory_space<vmem>>, vector<16xf32>,
      %parallel_loop3A_61 = arith.constant 16 : i32
      %parallel_loop3A_62 = arith.muli %parallel_loop3A_54, %parallel_loop3A_61 : i32
      %parallel_loop3A_63 = arith.constant 256 : i32
      %parallel_loop3A_64 = arith.addi %parallel_loop3A_63, %parallel_loop3A_62 : i32
      %parallel_loop3A_65 = arith.index_cast %parallel_loop3A_64 : i32 to index
      %parallel_loop3A_66 = tpu.vector_load %arg15[%parallel_loop3A_65] {strides = array<i32>} : memref<4096xf32, #tpu.memory_space<vmem>>, vector<16xf32>,
      %parallel_loop3A_67 = arith.constant 16 : i32
      %parallel_loop3A_68 = arith.muli %parallel_loop3A_54, %parallel_loop3A_67 : i32
      %parallel_loop3A_69 = arith.constant 512 : i32
      %parallel_loop3A_70 = arith.addi %parallel_loop3A_69, %parallel_loop3A_68 : i32
      %parallel_loop3A_71 = arith.index_cast %parallel_loop3A_70 : i32 to index
      %parallel_loop3A_72 = tpu.vector_load %arg15[%parallel_loop3A_71] {strides = array<i32>} : memref<4096xf32, #tpu.memory_space<vmem>>, vector<16xf32>,
      %parallel_loop3A_73 = arith.constant 16 : i32
      %parallel_loop3A_74 = arith.muli %parallel_loop3A_54, %parallel_loop3A_73 : i32
      %parallel_loop3A_75 = arith.constant 768 : i32
      %parallel_loop3A_76 = arith.addi %parallel_loop3A_75, %parallel_loop3A_74 : i32
      %parallel_loop3A_77 = arith.index_cast %parallel_loop3A_76 : i32 to index
      %parallel_loop3A_78 = tpu.vector_load %arg15[%parallel_loop3A_77] {strides = array<i32>} : memref<4096xf32, #tpu.memory_space<vmem>>, vector<16xf32>,
      %parallel_loop3A_79 = arith.constant 16 : i32
      %parallel_loop3A_80 = arith.muli %parallel_loop3A_54, %parallel_loop3A_79 : i32
      %parallel_loop3A_81 = arith.constant 1024 : i32
      %parallel_loop3A_82 = arith.addi %parallel_loop3A_81, %parallel_loop3A_80 : i32
      %parallel_loop3A_83 = arith.index_cast %parallel_loop3A_82 : i32 to index
      %parallel_loop3A_84 = tpu.vector_load %arg15[%parallel_loop3A_83] {strides = array<i32>} : memref<4096xf32, #tpu.memory_space<vmem>>, vector<16xf32>,
      %parallel_loop3A_85 = arith.constant 16 : i32
      %parallel_loop3A_86 = arith.muli %parallel_loop3A_54, %parallel_loop3A_85 : i32
      %parallel_loop3A_87 = arith.constant 1280 : i32
      %parallel_loop3A_88 = arith.addi %parallel_loop3A_87, %parallel_loop3A_86 : i32
      %parallel_loop3A_89 = arith.index_cast %parallel_loop3A_88 : i32 to index
      %parallel_loop3A_90 = tpu.vector_load %arg15[%parallel_loop3A_89] {strides = array<i32>} : memref<4096xf32, #tpu.memory_space<vmem>>, vector<16xf32>,
      %parallel_loop3A_91 = arith.constant 16 : i32
      %parallel_loop3A_92 = arith.muli %parallel_loop3A_54, %parallel_loop3A_91 : i32
      %parallel_loop3A_93 = arith.constant 1536 : i32
      %parallel_loop3A_94 = arith.addi %parallel_loop3A_93, %parallel_loop3A_92 : i32
      %parallel_loop3A_95 = arith.index_cast %parallel_loop3A_94 : i32 to index
      %parallel_loop3A_96 = tpu.vector_load %arg15[%parallel_loop3A_95] {strides = array<i32>} : memref<4096xf32, #tpu.memory_space<vmem>>, vector<16xf32>,
      %parallel_loop3A_97 = arith.constant 16 : i32
      %parallel_loop3A_98 = arith.muli %parallel_loop3A_54, %parallel_loop3A_97 : i32
      %parallel_loop3A_99 = arith.constant 1792 : i32
      %parallel_loop3A_100 = arith.addi %parallel_loop3A_99, %parallel_loop3A_98 : i32
      %parallel_loop3A_101 = arith.index_cast %parallel_loop3A_100 : i32 to index
      %parallel_loop3A_102 = tpu.vector_load %arg15[%parallel_loop3A_101] {strides = array<i32>} : memref<4096xf32, #tpu.memory_space<vmem>>, vector<16xf32>,
      %parallel_loop3A_103 = arith.constant 16 : i32
      %parallel_loop3A_104 = arith.muli %parallel_loop3A_54, %parallel_loop3A_103 : i32
      %parallel_loop3A_105 = arith.constant 2048 : i32
      %parallel_loop3A_106 = arith.addi %parallel_loop3A_105, %parallel_loop3A_104 : i32
      %parallel_loop3A_107 = arith.index_cast %parallel_loop3A_106 : i32 to index
      %parallel_loop3A_108 = tpu.vector_load %arg15[%parallel_loop3A_107] {strides = array<i32>} : memref<4096xf32, #tpu.memory_space<vmem>>, vector<16xf32>,
      %parallel_loop3A_109 = arith.constant 16 : i32
      %parallel_loop3A_110 = arith.muli %parallel_loop3A_54, %parallel_loop3A_109 : i32
      %parallel_loop3A_111 = arith.constant 2304 : i32
      %parallel_loop3A_112 = arith.addi %parallel_loop3A_111, %parallel_loop3A_110 : i32
      %parallel_loop3A_113 = arith.index_cast %parallel_loop3A_112 : i32 to index
      %parallel_loop3A_114 = tpu.vector_load %arg15[%parallel_loop3A_113] {strides = array<i32>} : memref<4096xf32, #tpu.memory_space<vmem>>, vector<16xf32>,
      %parallel_loop3A_115 = arith.constant 16 : i32
      %parallel_loop3A_116 = arith.muli %parallel_loop3A_54, %parallel_loop3A_115 : i32
      %parallel_loop3A_117 = arith.constant 2560 : i32
      %parallel_loop3A_118 = arith.addi %parallel_loop3A_117, %parallel_loop3A_116 : i32
      %parallel_loop3A_119 = arith.index_cast %parallel_loop3A_118 : i32 to index
      %parallel_loop3A_120 = tpu.vector_load %arg15[%parallel_loop3A_119] {strides = array<i32>} : memref<4096xf32, #tpu.memory_space<vmem>>, vector<16xf32>,
      %parallel_loop3A_121 = arith.constant 16 : i32
      %parallel_loop3A_122 = arith.muli %parallel_loop3A_54, %parallel_loop3A_121 : i32
      %parallel_loop3A_123 = arith.constant 2816 : i32
      %parallel_loop3A_124 = arith.addi %parallel_loop3A_123, %parallel_loop3A_122 : i32
      %parallel_loop3A_125 = arith.index_cast %parallel_loop3A_124 : i32 to index
      %parallel_loop3A_126 = tpu.vector_load %arg15[%parallel_loop3A_125] {strides = array<i32>} : memref<4096xf32, #tpu.memory_space<vmem>>, vector<16xf32>,
      %parallel_loop3A_127 = arith.constant 16 : i32
      %parallel_loop3A_128 = arith.muli %parallel_loop3A_54, %parallel_loop3A_127 : i32
      %parallel_loop3A_129 = arith.constant 3072 : i32
      %parallel_loop3A_130 = arith.addi %parallel_loop3A_129, %parallel_loop3A_128 : i32
      %parallel_loop3A_131 = arith.index_cast %parallel_loop3A_130 : i32 to index
      %parallel_loop3A_132 = tpu.vector_load %arg15[%parallel_loop3A_131] {strides = array<i32>} : memref<4096xf32, #tpu.memory_space<vmem>>, vector<16xf32>,
      %parallel_loop3A_133 = arith.constant 16 : i32
      %parallel_loop3A_134 = arith.muli %parallel_loop3A_54, %parallel_loop3A_133 : i32
      %parallel_loop3A_135 = arith.constant 3328 : i32
      %parallel_loop3A_136 = arith.addi %parallel_loop3A_135, %parallel_loop3A_134 : i32
      %parallel_loop3A_137 = arith.index_cast %parallel_loop3A_136 : i32 to index
      %parallel_loop3A_138 = tpu.vector_load %arg15[%parallel_loop3A_137] {strides = array<i32>} : memref<4096xf32, #tpu.memory_space<vmem>>, vector<16xf32>,
      %parallel_loop3A_139 = arith.constant 16 : i32
      %parallel_loop3A_140 = arith.muli %parallel_loop3A_54, %parallel_loop3A_139 : i32
      %parallel_loop3A_141 = arith.constant 3584 : i32
      %parallel_loop3A_142 = arith.addi %parallel_loop3A_141, %parallel_loop3A_140 : i32
      %parallel_loop3A_143 = arith.index_cast %parallel_loop3A_142 : i32 to index
      %parallel_loop3A_144 = tpu.vector_load %arg15[%parallel_loop3A_143] {strides = array<i32>} : memref<4096xf32, #tpu.memory_space<vmem>>, vector<16xf32>,
      %parallel_loop3A_145 = arith.constant 16 : i32
      %parallel_loop3A_146 = arith.muli %parallel_loop3A_54, %parallel_loop3A_145 : i32
      %parallel_loop3A_147 = arith.constant 3840 : i32
      %parallel_loop3A_148 = arith.addi %parallel_loop3A_147, %parallel_loop3A_146 : i32
      %parallel_loop3A_149 = arith.index_cast %parallel_loop3A_148 : i32 to index
      %parallel_loop3A_150 = tpu.vector_load %arg15[%parallel_loop3A_149] {strides = array<i32>} : memref<4096xf32, #tpu.memory_space<vmem>>, vector<16xf32>,
      %parallel_loop3A_151 = arith.addf %parallel_loop3A_60, %parallel_loop3A_66 : vector<16xf32>
      %parallel_loop3A_152 = arith.addf %parallel_loop3A_72, %parallel_loop3A_78 : vector<16xf32>
      %parallel_loop3A_153 = arith.addf %parallel_loop3A_84, %parallel_loop3A_90 : vector<16xf32>
      %parallel_loop3A_154 = arith.addf %parallel_loop3A_96, %parallel_loop3A_102 : vector<16xf32>
      %parallel_loop3A_155 = arith.addf %parallel_loop3A_108, %parallel_loop3A_114 : vector<16xf32>
      %parallel_loop3A_156 = arith.addf %parallel_loop3A_120, %parallel_loop3A_126 : vector<16xf32>
      %parallel_loop3A_157 = arith.addf %parallel_loop3A_132, %parallel_loop3A_138 : vector<16xf32>
      %parallel_loop3A_158 = arith.addf %parallel_loop3A_144, %parallel_loop3A_150 : vector<16xf32>
      %parallel_loop3A_159 = arith.addf %parallel_loop3A_151, %parallel_loop3A_152 : vector<16xf32>
      %parallel_loop3A_160 = arith.addf %parallel_loop3A_153, %parallel_loop3A_154 : vector<16xf32>
      %parallel_loop3A_161 = arith.addf %parallel_loop3A_155, %parallel_loop3A_156 : vector<16xf32>
      %parallel_loop3A_162 = arith.addf %parallel_loop3A_157, %parallel_loop3A_158 : vector<16xf32>
      %parallel_loop3A_163 = arith.addf %parallel_loop3A_159, %parallel_loop3A_160 : vector<16xf32>
      %parallel_loop3A_164 = arith.addf %parallel_loop3A_161, %parallel_loop3A_162 : vector<16xf32>
      %parallel_loop3A_165 = arith.addf %parallel_loop3A_163, %parallel_loop3A_164 : vector<16xf32>
      %parallel_loop3A_166 = arith.constant 16 : i32
      %parallel_loop3A_167 = arith.muli %parallel_loop3A_54, %parallel_loop3A_166 : i32
      %parallel_loop3A_168 = arith.constant 0 : i32
      %parallel_loop3A_169 = arith.addi %parallel_loop3A_168, %parallel_loop3A_167 : i32
      %parallel_loop3A_170 = arith.index_cast %parallel_loop3A_169 : i32 to index
      %parallel_loop3A_171 = tpu.vector_load %arg19[%parallel_loop3A_170] {strides = array<i32>} : memref<1536xf32, #tpu.memory_space<vmem>>, vector<16xf32>,
      tpu.vector_store %arg19[%parallel_loop3A_170], %parallel_loop3A_165 {strides = array<i32>} : memref<1536xf32, #tpu.memory_space<vmem>>, vector<16xf32>,
    } {sc.loop_unroll_factor = 2 : i64, sc.parallel_access}
    %parallel_loop3A_45 = arith.constant 0 : i32
    %parallel_loop3A_46 = arith.constant 16 : i32
    %parallel_loop3A_47 = arith.constant 1 : i32
    scf.for %parallel_loop3A_54 = %parallel_loop3A_45 to %parallel_loop3A_46 step %parallel_loop3A_47  : i32 {
      %parallel_loop3A_55 = arith.constant 16 : i32
      %parallel_loop3A_56 = arith.muli %parallel_loop3A_54, %parallel_loop3A_55 : i32
      %parallel_loop3A_57 = arith.constant 0 : i32
      %parallel_loop3A_58 = arith.addi %parallel_loop3A_57, %parallel_loop3A_56 : i32
      %parallel_loop3A_59 = arith.index_cast %parallel_loop3A_58 : i32 to index
      %parallel_loop3A_60 = tpu.vector_load %arg16[%parallel_loop3A_59] {strides = array<i32>} : memref<4096xi32, #tpu.memory_space<vmem>>, vector<16xi32>,
      %parallel_loop3A_61 = arith.constant 16 : i32
      %parallel_loop3A_62 = arith.muli %parallel_loop3A_54, %parallel_loop3A_61 : i32
      %parallel_loop3A_63 = arith.constant 256 : i32
      %parallel_loop3A_64 = arith.addi %parallel_loop3A_63, %parallel_loop3A_62 : i32
      %parallel_loop3A_65 = arith.index_cast %parallel_loop3A_64 : i32 to index
      %parallel_loop3A_66 = tpu.vector_load %arg16[%parallel_loop3A_65] {strides = array<i32>} : memref<4096xi32, #tpu.memory_space<vmem>>, vector<16xi32>,
      %parallel_loop3A_67 = arith.constant 16 : i32
      %parallel_loop3A_68 = arith.muli %parallel_loop3A_54, %parallel_loop3A_67 : i32
      %parallel_loop3A_69 = arith.constant 512 : i32
      %parallel_loop3A_70 = arith.addi %parallel_loop3A_69, %parallel_loop3A_68 : i32
      %parallel_loop3A_71 = arith.index_cast %parallel_loop3A_70 : i32 to index
      %parallel_loop3A_72 = tpu.vector_load %arg16[%parallel_loop3A_71] {strides = array<i32>} : memref<4096xi32, #tpu.memory_space<vmem>>, vector<16xi32>,
      %parallel_loop3A_73 = arith.constant 16 : i32
      %parallel_loop3A_74 = arith.muli %parallel_loop3A_54, %parallel_loop3A_73 : i32
      %parallel_loop3A_75 = arith.constant 768 : i32
      %parallel_loop3A_76 = arith.addi %parallel_loop3A_75, %parallel_loop3A_74 : i32
      %parallel_loop3A_77 = arith.index_cast %parallel_loop3A_76 : i32 to index
      %parallel_loop3A_78 = tpu.vector_load %arg16[%parallel_loop3A_77] {strides = array<i32>} : memref<4096xi32, #tpu.memory_space<vmem>>, vector<16xi32>,
      %parallel_loop3A_79 = arith.constant 16 : i32
      %parallel_loop3A_80 = arith.muli %parallel_loop3A_54, %parallel_loop3A_79 : i32
      %parallel_loop3A_81 = arith.constant 1024 : i32
      %parallel_loop3A_82 = arith.addi %parallel_loop3A_81, %parallel_loop3A_80 : i32
      %parallel_loop3A_83 = arith.index_cast %parallel_loop3A_82 : i32 to index
      %parallel_loop3A_84 = tpu.vector_load %arg16[%parallel_loop3A_83] {strides = array<i32>} : memref<4096xi32, #tpu.memory_space<vmem>>, vector<16xi32>,
      %parallel_loop3A_85 = arith.constant 16 : i32
      %parallel_loop3A_86 = arith.muli %parallel_loop3A_54, %parallel_loop3A_85 : i32
      %parallel_loop3A_87 = arith.constant 1280 : i32
      %parallel_loop3A_88 = arith.addi %parallel_loop3A_87, %parallel_loop3A_86 : i32
      %parallel_loop3A_89 = arith.index_cast %parallel_loop3A_88 : i32 to index
      %parallel_loop3A_90 = tpu.vector_load %arg16[%parallel_loop3A_89] {strides = array<i32>} : memref<4096xi32, #tpu.memory_space<vmem>>, vector<16xi32>,
      %parallel_loop3A_91 = arith.constant 16 : i32
      %parallel_loop3A_92 = arith.muli %parallel_loop3A_54, %parallel_loop3A_91 : i32
      %parallel_loop3A_93 = arith.constant 1536 : i32
      %parallel_loop3A_94 = arith.addi %parallel_loop3A_93, %parallel_loop3A_92 : i32
      %parallel_loop3A_95 = arith.index_cast %parallel_loop3A_94 : i32 to index
      %parallel_loop3A_96 = tpu.vector_load %arg16[%parallel_loop3A_95] {strides = array<i32>} : memref<4096xi32, #tpu.memory_space<vmem>>, vector<16xi32>,
      %parallel_loop3A_97 = arith.constant 16 : i32
      %parallel_loop3A_98 = arith.muli %parallel_loop3A_54, %parallel_loop3A_97 : i32
      %parallel_loop3A_99 = arith.constant 1792 : i32
      %parallel_loop3A_100 = arith.addi %parallel_loop3A_99, %parallel_loop3A_98 : i32
      %parallel_loop3A_101 = arith.index_cast %parallel_loop3A_100 : i32 to index
      %parallel_loop3A_102 = tpu.vector_load %arg16[%parallel_loop3A_101] {strides = array<i32>} : memref<4096xi32, #tpu.memory_space<vmem>>, vector<16xi32>,
      %parallel_loop3A_103 = arith.constant 16 : i32
      %parallel_loop3A_104 = arith.muli %parallel_loop3A_54, %parallel_loop3A_103 : i32
      %parallel_loop3A_105 = arith.constant 2048 : i32
      %parallel_loop3A_106 = arith.addi %parallel_loop3A_105, %parallel_loop3A_104 : i32
      %parallel_loop3A_107 = arith.index_cast %parallel_loop3A_106 : i32 to index
      %parallel_loop3A_108 = tpu.vector_load %arg16[%parallel_loop3A_107] {strides = array<i32>} : memref<4096xi32, #tpu.memory_space<vmem>>, vector<16xi32>,
      %parallel_loop3A_109 = arith.constant 16 : i32
      %parallel_loop3A_110 = arith.muli %parallel_loop3A_54, %parallel_loop3A_109 : i32
      %parallel_loop3A_111 = arith.constant 2304 : i32
      %parallel_loop3A_112 = arith.addi %parallel_loop3A_111, %parallel_loop3A_110 : i32
      %parallel_loop3A_113 = arith.index_cast %parallel_loop3A_112 : i32 to index
      %parallel_loop3A_114 = tpu.vector_load %arg16[%parallel_loop3A_113] {strides = array<i32>} : memref<4096xi32, #tpu.memory_space<vmem>>, vector<16xi32>,
      %parallel_loop3A_115 = arith.constant 16 : i32
      %parallel_loop3A_116 = arith.muli %parallel_loop3A_54, %parallel_loop3A_115 : i32
      %parallel_loop3A_117 = arith.constant 2560 : i32
      %parallel_loop3A_118 = arith.addi %parallel_loop3A_117, %parallel_loop3A_116 : i32
      %parallel_loop3A_119 = arith.index_cast %parallel_loop3A_118 : i32 to index
      %parallel_loop3A_120 = tpu.vector_load %arg16[%parallel_loop3A_119] {strides = array<i32>} : memref<4096xi32, #tpu.memory_space<vmem>>, vector<16xi32>,
      %parallel_loop3A_121 = arith.constant 16 : i32
      %parallel_loop3A_122 = arith.muli %parallel_loop3A_54, %parallel_loop3A_121 : i32
      %parallel_loop3A_123 = arith.constant 2816 : i32
      %parallel_loop3A_124 = arith.addi %parallel_loop3A_123, %parallel_loop3A_122 : i32
      %parallel_loop3A_125 = arith.index_cast %parallel_loop3A_124 : i32 to index
      %parallel_loop3A_126 = tpu.vector_load %arg16[%parallel_loop3A_125] {strides = array<i32>} : memref<4096xi32, #tpu.memory_space<vmem>>, vector<16xi32>,
      %parallel_loop3A_127 = arith.constant 16 : i32
      %parallel_loop3A_128 = arith.muli %parallel_loop3A_54, %parallel_loop3A_127 : i32
      %parallel_loop3A_129 = arith.constant 3072 : i32
      %parallel_loop3A_130 = arith.addi %parallel_loop3A_129, %parallel_loop3A_128 : i32
      %parallel_loop3A_131 = arith.index_cast %parallel_loop3A_130 : i32 to index
      %parallel_loop3A_132 = tpu.vector_load %arg16[%parallel_loop3A_131] {strides = array<i32>} : memref<4096xi32, #tpu.memory_space<vmem>>, vector<16xi32>,
      %parallel_loop3A_133 = arith.constant 16 : i32
      %parallel_loop3A_134 = arith.muli %parallel_loop3A_54, %parallel_loop3A_133 : i32
      %parallel_loop3A_135 = arith.constant 3328 : i32
      %parallel_loop3A_136 = arith.addi %parallel_loop3A_135, %parallel_loop3A_134 : i32
      %parallel_loop3A_137 = arith.index_cast %parallel_loop3A_136 : i32 to index
      %parallel_loop3A_138 = tpu.vector_load %arg16[%parallel_loop3A_137] {strides = array<i32>} : memref<4096xi32, #tpu.memory_space<vmem>>, vector<16xi32>,
      %parallel_loop3A_139 = arith.constant 16 : i32
      %parallel_loop3A_140 = arith.muli %parallel_loop3A_54, %parallel_loop3A_139 : i32
      %parallel_loop3A_141 = arith.constant 3584 : i32
      %parallel_loop3A_142 = arith.addi %parallel_loop3A_141, %parallel_loop3A_140 : i32
      %parallel_loop3A_143 = arith.index_cast %parallel_loop3A_142 : i32 to index
      %parallel_loop3A_144 = tpu.vector_load %arg16[%parallel_loop3A_143] {strides = array<i32>} : memref<4096xi32, #tpu.memory_space<vmem>>, vector<16xi32>,
      %parallel_loop3A_145 = arith.constant 16 : i32
      %parallel_loop3A_146 = arith.muli %parallel_loop3A_54, %parallel_loop3A_145 : i32
      %parallel_loop3A_147 = arith.constant 3840 : i32
      %parallel_loop3A_148 = arith.addi %parallel_loop3A_147, %parallel_loop3A_146 : i32
      %parallel_loop3A_149 = arith.index_cast %parallel_loop3A_148 : i32 to index
      %parallel_loop3A_150 = tpu.vector_load %arg16[%parallel_loop3A_149] {strides = array<i32>} : memref<4096xi32, #tpu.memory_space<vmem>>, vector<16xi32>,
      %parallel_loop3A_151 = arith.addi %parallel_loop3A_60, %parallel_loop3A_66 : vector<16xi32>
      %parallel_loop3A_152 = arith.addi %parallel_loop3A_72, %parallel_loop3A_78 : vector<16xi32>
      %parallel_loop3A_153 = arith.addi %parallel_loop3A_84, %parallel_loop3A_90 : vector<16xi32>
      %parallel_loop3A_154 = arith.addi %parallel_loop3A_96, %parallel_loop3A_102 : vector<16xi32>
      %parallel_loop3A_155 = arith.addi %parallel_loop3A_108, %parallel_loop3A_114 : vector<16xi32>
      %parallel_loop3A_156 = arith.addi %parallel_loop3A_120, %parallel_loop3A_126 : vector<16xi32>
      %parallel_loop3A_157 = arith.addi %parallel_loop3A_132, %parallel_loop3A_138 : vector<16xi32>
      %parallel_loop3A_158 = arith.addi %parallel_loop3A_144, %parallel_loop3A_150 : vector<16xi32>
      %parallel_loop3A_159 = arith.addi %parallel_loop3A_151, %parallel_loop3A_152 : vector<16xi32>
      %parallel_loop3A_160 = arith.addi %parallel_loop3A_153, %parallel_loop3A_154 : vector<16xi32>
      %parallel_loop3A_161 = arith.addi %parallel_loop3A_155, %parallel_loop3A_156 : vector<16xi32>
      %parallel_loop3A_162 = arith.addi %parallel_loop3A_157, %parallel_loop3A_158 : vector<16xi32>
      %parallel_loop3A_163 = arith.addi %parallel_loop3A_159, %parallel_loop3A_160 : vector<16xi32>
      %parallel_loop3A_164 = arith.addi %parallel_loop3A_161, %parallel_loop3A_162 : vector<16xi32>
      %parallel_loop3A_165 = arith.addi %parallel_loop3A_163, %parallel_loop3A_164 : vector<16xi32>
      %parallel_loop3A_166 = arith.constant 16 : i32
      %parallel_loop3A_167 = vector.broadcast %parallel_loop3A_166 : i32 to vector<16xi32>
      %parallel_loop3A_168 = arith.shrui %parallel_loop3A_165, %parallel_loop3A_167 : vector<16xi32>
      %parallel_loop3A_169 = arith.sitofp %parallel_loop3A_168 : vector<16xi32> to vector<16xf32>
      %parallel_loop3A_170 = arith.constant 16 : i32
      %parallel_loop3A_171 = arith.muli %parallel_loop3A_54, %parallel_loop3A_170 : i32
      %parallel_loop3A_172 = arith.constant 256 : i32
      %parallel_loop3A_173 = arith.addi %parallel_loop3A_172, %parallel_loop3A_171 : i32
      %parallel_loop3A_174 = arith.index_cast %parallel_loop3A_173 : i32 to index
      %parallel_loop3A_175 = tpu.vector_load %arg19[%parallel_loop3A_174] {strides = array<i32>} : memref<1536xf32, #tpu.memory_space<vmem>>, vector<16xf32>,
      tpu.vector_store %arg19[%parallel_loop3A_174], %parallel_loop3A_169 {strides = array<i32>} : memref<1536xf32, #tpu.memory_space<vmem>>, vector<16xf32>,
      %parallel_loop3A_176 = arith.andi %parallel_loop3A_165, %broadcast_in_dim3A_41 : vector<16xi32>
      %parallel_loop3A_177 = arith.sitofp %parallel_loop3A_176 : vector<16xi32> to vector<16xf32>
      %parallel_loop3A_178 = arith.constant 16 : i32
      %parallel_loop3A_179 = arith.muli %parallel_loop3A_54, %parallel_loop3A_178 : i32
      %parallel_loop3A_180 = arith.constant 512 : i32
      %parallel_loop3A_181 = arith.addi %parallel_loop3A_180, %parallel_loop3A_179 : i32
      %parallel_loop3A_182 = arith.index_cast %parallel_loop3A_181 : i32 to index
      %parallel_loop3A_183 = tpu.vector_load %arg19[%parallel_loop3A_182] {strides = array<i32>} : memref<1536xf32, #tpu.memory_space<vmem>>, vector<16xf32>,
      tpu.vector_store %arg19[%parallel_loop3A_182], %parallel_loop3A_177 {strides = array<i32>} : memref<1536xf32, #tpu.memory_space<vmem>>, vector<16xf32>,
    } {sc.loop_unroll_factor = 2 : i64, sc.parallel_access}
    %parallel_loop3A_48 = arith.constant 0 : i32
    %parallel_loop3A_49 = arith.constant 16 : i32
    %parallel_loop3A_50 = arith.constant 1 : i32
    scf.for %parallel_loop3A_54 = %parallel_loop3A_48 to %parallel_loop3A_49 step %parallel_loop3A_50  : i32 {
      %parallel_loop3A_55 = arith.constant 16 : i32
      %parallel_loop3A_56 = arith.muli %parallel_loop3A_54, %parallel_loop3A_55 : i32
      %parallel_loop3A_57 = arith.constant 0 : i32
      %parallel_loop3A_58 = arith.addi %parallel_loop3A_57, %parallel_loop3A_56 : i32
      %parallel_loop3A_59 = arith.index_cast %parallel_loop3A_58 : i32 to index
      %parallel_loop3A_60 = tpu.vector_load %arg17[%parallel_loop3A_59] {strides = array<i32>} : memref<4096xf32, #tpu.memory_space<vmem>>, vector<16xf32>,
      %parallel_loop3A_61 = arith.constant 16 : i32
      %parallel_loop3A_62 = arith.muli %parallel_loop3A_54, %parallel_loop3A_61 : i32
      %parallel_loop3A_63 = arith.constant 256 : i32
      %parallel_loop3A_64 = arith.addi %parallel_loop3A_63, %parallel_loop3A_62 : i32
      %parallel_loop3A_65 = arith.index_cast %parallel_loop3A_64 : i32 to index
      %parallel_loop3A_66 = tpu.vector_load %arg17[%parallel_loop3A_65] {strides = array<i32>} : memref<4096xf32, #tpu.memory_space<vmem>>, vector<16xf32>,
      %parallel_loop3A_67 = arith.constant 16 : i32
      %parallel_loop3A_68 = arith.muli %parallel_loop3A_54, %parallel_loop3A_67 : i32
      %parallel_loop3A_69 = arith.constant 512 : i32
      %parallel_loop3A_70 = arith.addi %parallel_loop3A_69, %parallel_loop3A_68 : i32
      %parallel_loop3A_71 = arith.index_cast %parallel_loop3A_70 : i32 to index
      %parallel_loop3A_72 = tpu.vector_load %arg17[%parallel_loop3A_71] {strides = array<i32>} : memref<4096xf32, #tpu.memory_space<vmem>>, vector<16xf32>,
      %parallel_loop3A_73 = arith.constant 16 : i32
      %parallel_loop3A_74 = arith.muli %parallel_loop3A_54, %parallel_loop3A_73 : i32
      %parallel_loop3A_75 = arith.constant 768 : i32
      %parallel_loop3A_76 = arith.addi %parallel_loop3A_75, %parallel_loop3A_74 : i32
      %parallel_loop3A_77 = arith.index_cast %parallel_loop3A_76 : i32 to index
      %parallel_loop3A_78 = tpu.vector_load %arg17[%parallel_loop3A_77] {strides = array<i32>} : memref<4096xf32, #tpu.memory_space<vmem>>, vector<16xf32>,
      %parallel_loop3A_79 = arith.constant 16 : i32
      %parallel_loop3A_80 = arith.muli %parallel_loop3A_54, %parallel_loop3A_79 : i32
      %parallel_loop3A_81 = arith.constant 1024 : i32
      %parallel_loop3A_82 = arith.addi %parallel_loop3A_81, %parallel_loop3A_80 : i32
      %parallel_loop3A_83 = arith.index_cast %parallel_loop3A_82 : i32 to index
      %parallel_loop3A_84 = tpu.vector_load %arg17[%parallel_loop3A_83] {strides = array<i32>} : memref<4096xf32, #tpu.memory_space<vmem>>, vector<16xf32>,
      %parallel_loop3A_85 = arith.constant 16 : i32
      %parallel_loop3A_86 = arith.muli %parallel_loop3A_54, %parallel_loop3A_85 : i32
      %parallel_loop3A_87 = arith.constant 1280 : i32
      %parallel_loop3A_88 = arith.addi %parallel_loop3A_87, %parallel_loop3A_86 : i32
      %parallel_loop3A_89 = arith.index_cast %parallel_loop3A_88 : i32 to index
      %parallel_loop3A_90 = tpu.vector_load %arg17[%parallel_loop3A_89] {strides = array<i32>} : memref<4096xf32, #tpu.memory_space<vmem>>, vector<16xf32>,
      %parallel_loop3A_91 = arith.constant 16 : i32
      %parallel_loop3A_92 = arith.muli %parallel_loop3A_54, %parallel_loop3A_91 : i32
      %parallel_loop3A_93 = arith.constant 1536 : i32
      %parallel_loop3A_94 = arith.addi %parallel_loop3A_93, %parallel_loop3A_92 : i32
      %parallel_loop3A_95 = arith.index_cast %parallel_loop3A_94 : i32 to index
      %parallel_loop3A_96 = tpu.vector_load %arg17[%parallel_loop3A_95] {strides = array<i32>} : memref<4096xf32, #tpu.memory_space<vmem>>, vector<16xf32>,
      %parallel_loop3A_97 = arith.constant 16 : i32
      %parallel_loop3A_98 = arith.muli %parallel_loop3A_54, %parallel_loop3A_97 : i32
      %parallel_loop3A_99 = arith.constant 1792 : i32
      %parallel_loop3A_100 = arith.addi %parallel_loop3A_99, %parallel_loop3A_98 : i32
      %parallel_loop3A_101 = arith.index_cast %parallel_loop3A_100 : i32 to index
      %parallel_loop3A_102 = tpu.vector_load %arg17[%parallel_loop3A_101] {strides = array<i32>} : memref<4096xf32, #tpu.memory_space<vmem>>, vector<16xf32>,
      %parallel_loop3A_103 = arith.constant 16 : i32
      %parallel_loop3A_104 = arith.muli %parallel_loop3A_54, %parallel_loop3A_103 : i32
      %parallel_loop3A_105 = arith.constant 2048 : i32
      %parallel_loop3A_106 = arith.addi %parallel_loop3A_105, %parallel_loop3A_104 : i32
      %parallel_loop3A_107 = arith.index_cast %parallel_loop3A_106 : i32 to index
      %parallel_loop3A_108 = tpu.vector_load %arg17[%parallel_loop3A_107] {strides = array<i32>} : memref<4096xf32, #tpu.memory_space<vmem>>, vector<16xf32>,
      %parallel_loop3A_109 = arith.constant 16 : i32
      %parallel_loop3A_110 = arith.muli %parallel_loop3A_54, %parallel_loop3A_109 : i32
      %parallel_loop3A_111 = arith.constant 2304 : i32
      %parallel_loop3A_112 = arith.addi %parallel_loop3A_111, %parallel_loop3A_110 : i32
      %parallel_loop3A_113 = arith.index_cast %parallel_loop3A_112 : i32 to index
      %parallel_loop3A_114 = tpu.vector_load %arg17[%parallel_loop3A_113] {strides = array<i32>} : memref<4096xf32, #tpu.memory_space<vmem>>, vector<16xf32>,
      %parallel_loop3A_115 = arith.constant 16 : i32
      %parallel_loop3A_116 = arith.muli %parallel_loop3A_54, %parallel_loop3A_115 : i32
      %parallel_loop3A_117 = arith.constant 2560 : i32
      %parallel_loop3A_118 = arith.addi %parallel_loop3A_117, %parallel_loop3A_116 : i32
      %parallel_loop3A_119 = arith.index_cast %parallel_loop3A_118 : i32 to index
      %parallel_loop3A_120 = tpu.vector_load %arg17[%parallel_loop3A_119] {strides = array<i32>} : memref<4096xf32, #tpu.memory_space<vmem>>, vector<16xf32>,
      %parallel_loop3A_121 = arith.constant 16 : i32
      %parallel_loop3A_122 = arith.muli %parallel_loop3A_54, %parallel_loop3A_121 : i32
      %parallel_loop3A_123 = arith.constant 2816 : i32
      %parallel_loop3A_124 = arith.addi %parallel_loop3A_123, %parallel_loop3A_122 : i32
      %parallel_loop3A_125 = arith.index_cast %parallel_loop3A_124 : i32 to index
      %parallel_loop3A_126 = tpu.vector_load %arg17[%parallel_loop3A_125] {strides = array<i32>} : memref<4096xf32, #tpu.memory_space<vmem>>, vector<16xf32>,
      %parallel_loop3A_127 = arith.constant 16 : i32
      %parallel_loop3A_128 = arith.muli %parallel_loop3A_54, %parallel_loop3A_127 : i32
      %parallel_loop3A_129 = arith.constant 3072 : i32
      %parallel_loop3A_130 = arith.addi %parallel_loop3A_129, %parallel_loop3A_128 : i32
      %parallel_loop3A_131 = arith.index_cast %parallel_loop3A_130 : i32 to index
      %parallel_loop3A_132 = tpu.vector_load %arg17[%parallel_loop3A_131] {strides = array<i32>} : memref<4096xf32, #tpu.memory_space<vmem>>, vector<16xf32>,
      %parallel_loop3A_133 = arith.constant 16 : i32
      %parallel_loop3A_134 = arith.muli %parallel_loop3A_54, %parallel_loop3A_133 : i32
      %parallel_loop3A_135 = arith.constant 3328 : i32
      %parallel_loop3A_136 = arith.addi %parallel_loop3A_135, %parallel_loop3A_134 : i32
      %parallel_loop3A_137 = arith.index_cast %parallel_loop3A_136 : i32 to index
      %parallel_loop3A_138 = tpu.vector_load %arg17[%parallel_loop3A_137] {strides = array<i32>} : memref<4096xf32, #tpu.memory_space<vmem>>, vector<16xf32>,
      %parallel_loop3A_139 = arith.constant 16 : i32
      %parallel_loop3A_140 = arith.muli %parallel_loop3A_54, %parallel_loop3A_139 : i32
      %parallel_loop3A_141 = arith.constant 3584 : i32
      %parallel_loop3A_142 = arith.addi %parallel_loop3A_141, %parallel_loop3A_140 : i32
      %parallel_loop3A_143 = arith.index_cast %parallel_loop3A_142 : i32 to index
      %parallel_loop3A_144 = tpu.vector_load %arg17[%parallel_loop3A_143] {strides = array<i32>} : memref<4096xf32, #tpu.memory_space<vmem>>, vector<16xf32>,
      %parallel_loop3A_145 = arith.constant 16 : i32
      %parallel_loop3A_146 = arith.muli %parallel_loop3A_54, %parallel_loop3A_145 : i32
      %parallel_loop3A_147 = arith.constant 3840 : i32
      %parallel_loop3A_148 = arith.addi %parallel_loop3A_147, %parallel_loop3A_146 : i32
      %parallel_loop3A_149 = arith.index_cast %parallel_loop3A_148 : i32 to index
      %parallel_loop3A_150 = tpu.vector_load %arg17[%parallel_loop3A_149] {strides = array<i32>} : memref<4096xf32, #tpu.memory_space<vmem>>, vector<16xf32>,
      %parallel_loop3A_151 = arith.addf %parallel_loop3A_60, %parallel_loop3A_66 : vector<16xf32>
      %parallel_loop3A_152 = arith.addf %parallel_loop3A_72, %parallel_loop3A_78 : vector<16xf32>
      %parallel_loop3A_153 = arith.addf %parallel_loop3A_84, %parallel_loop3A_90 : vector<16xf32>
      %parallel_loop3A_154 = arith.addf %parallel_loop3A_96, %parallel_loop3A_102 : vector<16xf32>
      %parallel_loop3A_155 = arith.addf %parallel_loop3A_108, %parallel_loop3A_114 : vector<16xf32>
      %parallel_loop3A_156 = arith.addf %parallel_loop3A_120, %parallel_loop3A_126 : vector<16xf32>
      %parallel_loop3A_157 = arith.addf %parallel_loop3A_132, %parallel_loop3A_138 : vector<16xf32>
      %parallel_loop3A_158 = arith.addf %parallel_loop3A_144, %parallel_loop3A_150 : vector<16xf32>
      %parallel_loop3A_159 = arith.addf %parallel_loop3A_151, %parallel_loop3A_152 : vector<16xf32>
      %parallel_loop3A_160 = arith.addf %parallel_loop3A_153, %parallel_loop3A_154 : vector<16xf32>
      %parallel_loop3A_161 = arith.addf %parallel_loop3A_155, %parallel_loop3A_156 : vector<16xf32>
      %parallel_loop3A_162 = arith.addf %parallel_loop3A_157, %parallel_loop3A_158 : vector<16xf32>
      %parallel_loop3A_163 = arith.addf %parallel_loop3A_159, %parallel_loop3A_160 : vector<16xf32>
      %parallel_loop3A_164 = arith.addf %parallel_loop3A_161, %parallel_loop3A_162 : vector<16xf32>
      %parallel_loop3A_165 = arith.addf %parallel_loop3A_163, %parallel_loop3A_164 : vector<16xf32>
      %parallel_loop3A_166 = arith.constant 16 : i32
      %parallel_loop3A_167 = arith.muli %parallel_loop3A_54, %parallel_loop3A_166 : i32
      %parallel_loop3A_168 = arith.constant 768 : i32
      %parallel_loop3A_169 = arith.addi %parallel_loop3A_168, %parallel_loop3A_167 : i32
      %parallel_loop3A_170 = arith.index_cast %parallel_loop3A_169 : i32 to index
      %parallel_loop3A_171 = tpu.vector_load %arg19[%parallel_loop3A_170] {strides = array<i32>} : memref<1536xf32, #tpu.memory_space<vmem>>, vector<16xf32>,
      tpu.vector_store %arg19[%parallel_loop3A_170], %parallel_loop3A_165 {strides = array<i32>} : memref<1536xf32, #tpu.memory_space<vmem>>, vector<16xf32>,
    } {sc.loop_unroll_factor = 2 : i64, sc.parallel_access}
    %parallel_loop3A_51 = arith.constant 0 : i32
    %parallel_loop3A_52 = arith.constant 16 : i32
    %parallel_loop3A_53 = arith.constant 1 : i32
    scf.for %parallel_loop3A_54 = %parallel_loop3A_51 to %parallel_loop3A_52 step %parallel_loop3A_53  : i32 {
      %parallel_loop3A_55 = arith.constant 16 : i32
      %parallel_loop3A_56 = arith.muli %parallel_loop3A_54, %parallel_loop3A_55 : i32
      %parallel_loop3A_57 = arith.constant 0 : i32
      %parallel_loop3A_58 = arith.addi %parallel_loop3A_57, %parallel_loop3A_56 : i32
      %parallel_loop3A_59 = arith.index_cast %parallel_loop3A_58 : i32 to index
      %parallel_loop3A_60 = tpu.vector_load %arg18[%parallel_loop3A_59] {strides = array<i32>} : memref<4096xi32, #tpu.memory_space<vmem>>, vector<16xi32>,
      %parallel_loop3A_61 = arith.constant 16 : i32
      %parallel_loop3A_62 = arith.muli %parallel_loop3A_54, %parallel_loop3A_61 : i32
      %parallel_loop3A_63 = arith.constant 256 : i32
      %parallel_loop3A_64 = arith.addi %parallel_loop3A_63, %parallel_loop3A_62 : i32
      %parallel_loop3A_65 = arith.index_cast %parallel_loop3A_64 : i32 to index
      %parallel_loop3A_66 = tpu.vector_load %arg18[%parallel_loop3A_65] {strides = array<i32>} : memref<4096xi32, #tpu.memory_space<vmem>>, vector<16xi32>,
      %parallel_loop3A_67 = arith.constant 16 : i32
      %parallel_loop3A_68 = arith.muli %parallel_loop3A_54, %parallel_loop3A_67 : i32
      %parallel_loop3A_69 = arith.constant 512 : i32
      %parallel_loop3A_70 = arith.addi %parallel_loop3A_69, %parallel_loop3A_68 : i32
      %parallel_loop3A_71 = arith.index_cast %parallel_loop3A_70 : i32 to index
      %parallel_loop3A_72 = tpu.vector_load %arg18[%parallel_loop3A_71] {strides = array<i32>} : memref<4096xi32, #tpu.memory_space<vmem>>, vector<16xi32>,
      %parallel_loop3A_73 = arith.constant 16 : i32
      %parallel_loop3A_74 = arith.muli %parallel_loop3A_54, %parallel_loop3A_73 : i32
      %parallel_loop3A_75 = arith.constant 768 : i32
      %parallel_loop3A_76 = arith.addi %parallel_loop3A_75, %parallel_loop3A_74 : i32
      %parallel_loop3A_77 = arith.index_cast %parallel_loop3A_76 : i32 to index
      %parallel_loop3A_78 = tpu.vector_load %arg18[%parallel_loop3A_77] {strides = array<i32>} : memref<4096xi32, #tpu.memory_space<vmem>>, vector<16xi32>,
      %parallel_loop3A_79 = arith.constant 16 : i32
      %parallel_loop3A_80 = arith.muli %parallel_loop3A_54, %parallel_loop3A_79 : i32
      %parallel_loop3A_81 = arith.constant 1024 : i32
      %parallel_loop3A_82 = arith.addi %parallel_loop3A_81, %parallel_loop3A_80 : i32
      %parallel_loop3A_83 = arith.index_cast %parallel_loop3A_82 : i32 to index
      %parallel_loop3A_84 = tpu.vector_load %arg18[%parallel_loop3A_83] {strides = array<i32>} : memref<4096xi32, #tpu.memory_space<vmem>>, vector<16xi32>,
      %parallel_loop3A_85 = arith.constant 16 : i32
      %parallel_loop3A_86 = arith.muli %parallel_loop3A_54, %parallel_loop3A_85 : i32
      %parallel_loop3A_87 = arith.constant 1280 : i32
      %parallel_loop3A_88 = arith.addi %parallel_loop3A_87, %parallel_loop3A_86 : i32
      %parallel_loop3A_89 = arith.index_cast %parallel_loop3A_88 : i32 to index
      %parallel_loop3A_90 = tpu.vector_load %arg18[%parallel_loop3A_89] {strides = array<i32>} : memref<4096xi32, #tpu.memory_space<vmem>>, vector<16xi32>,
      %parallel_loop3A_91 = arith.constant 16 : i32
      %parallel_loop3A_92 = arith.muli %parallel_loop3A_54, %parallel_loop3A_91 : i32
      %parallel_loop3A_93 = arith.constant 1536 : i32
      %parallel_loop3A_94 = arith.addi %parallel_loop3A_93, %parallel_loop3A_92 : i32
      %parallel_loop3A_95 = arith.index_cast %parallel_loop3A_94 : i32 to index
      %parallel_loop3A_96 = tpu.vector_load %arg18[%parallel_loop3A_95] {strides = array<i32>} : memref<4096xi32, #tpu.memory_space<vmem>>, vector<16xi32>,
      %parallel_loop3A_97 = arith.constant 16 : i32
      %parallel_loop3A_98 = arith.muli %parallel_loop3A_54, %parallel_loop3A_97 : i32
      %parallel_loop3A_99 = arith.constant 1792 : i32
      %parallel_loop3A_100 = arith.addi %parallel_loop3A_99, %parallel_loop3A_98 : i32
      %parallel_loop3A_101 = arith.index_cast %parallel_loop3A_100 : i32 to index
      %parallel_loop3A_102 = tpu.vector_load %arg18[%parallel_loop3A_101] {strides = array<i32>} : memref<4096xi32, #tpu.memory_space<vmem>>, vector<16xi32>,
      %parallel_loop3A_103 = arith.constant 16 : i32
      %parallel_loop3A_104 = arith.muli %parallel_loop3A_54, %parallel_loop3A_103 : i32
      %parallel_loop3A_105 = arith.constant 2048 : i32
      %parallel_loop3A_106 = arith.addi %parallel_loop3A_105, %parallel_loop3A_104 : i32
      %parallel_loop3A_107 = arith.index_cast %parallel_loop3A_106 : i32 to index
      %parallel_loop3A_108 = tpu.vector_load %arg18[%parallel_loop3A_107] {strides = array<i32>} : memref<4096xi32, #tpu.memory_space<vmem>>, vector<16xi32>,
      %parallel_loop3A_109 = arith.constant 16 : i32
      %parallel_loop3A_110 = arith.muli %parallel_loop3A_54, %parallel_loop3A_109 : i32
      %parallel_loop3A_111 = arith.constant 2304 : i32
      %parallel_loop3A_112 = arith.addi %parallel_loop3A_111, %parallel_loop3A_110 : i32
      %parallel_loop3A_113 = arith.index_cast %parallel_loop3A_112 : i32 to index
      %parallel_loop3A_114 = tpu.vector_load %arg18[%parallel_loop3A_113] {strides = array<i32>} : memref<4096xi32, #tpu.memory_space<vmem>>, vector<16xi32>,
      %parallel_loop3A_115 = arith.constant 16 : i32
      %parallel_loop3A_116 = arith.muli %parallel_loop3A_54, %parallel_loop3A_115 : i32
      %parallel_loop3A_117 = arith.constant 2560 : i32
      %parallel_loop3A_118 = arith.addi %parallel_loop3A_117, %parallel_loop3A_116 : i32
      %parallel_loop3A_119 = arith.index_cast %parallel_loop3A_118 : i32 to index
      %parallel_loop3A_120 = tpu.vector_load %arg18[%parallel_loop3A_119] {strides = array<i32>} : memref<4096xi32, #tpu.memory_space<vmem>>, vector<16xi32>,
      %parallel_loop3A_121 = arith.constant 16 : i32
      %parallel_loop3A_122 = arith.muli %parallel_loop3A_54, %parallel_loop3A_121 : i32
      %parallel_loop3A_123 = arith.constant 2816 : i32
      %parallel_loop3A_124 = arith.addi %parallel_loop3A_123, %parallel_loop3A_122 : i32
      %parallel_loop3A_125 = arith.index_cast %parallel_loop3A_124 : i32 to index
      %parallel_loop3A_126 = tpu.vector_load %arg18[%parallel_loop3A_125] {strides = array<i32>} : memref<4096xi32, #tpu.memory_space<vmem>>, vector<16xi32>,
      %parallel_loop3A_127 = arith.constant 16 : i32
      %parallel_loop3A_128 = arith.muli %parallel_loop3A_54, %parallel_loop3A_127 : i32
      %parallel_loop3A_129 = arith.constant 3072 : i32
      %parallel_loop3A_130 = arith.addi %parallel_loop3A_129, %parallel_loop3A_128 : i32
      %parallel_loop3A_131 = arith.index_cast %parallel_loop3A_130 : i32 to index
      %parallel_loop3A_132 = tpu.vector_load %arg18[%parallel_loop3A_131] {strides = array<i32>} : memref<4096xi32, #tpu.memory_space<vmem>>, vector<16xi32>,
      %parallel_loop3A_133 = arith.constant 16 : i32
      %parallel_loop3A_134 = arith.muli %parallel_loop3A_54, %parallel_loop3A_133 : i32
      %parallel_loop3A_135 = arith.constant 3328 : i32
      %parallel_loop3A_136 = arith.addi %parallel_loop3A_135, %parallel_loop3A_134 : i32
      %parallel_loop3A_137 = arith.index_cast %parallel_loop3A_136 : i32 to index
      %parallel_loop3A_138 = tpu.vector_load %arg18[%parallel_loop3A_137] {strides = array<i32>} : memref<4096xi32, #tpu.memory_space<vmem>>, vector<16xi32>,
      %parallel_loop3A_139 = arith.constant 16 : i32
      %parallel_loop3A_140 = arith.muli %parallel_loop3A_54, %parallel_loop3A_139 : i32
      %parallel_loop3A_141 = arith.constant 3584 : i32
      %parallel_loop3A_142 = arith.addi %parallel_loop3A_141, %parallel_loop3A_140 : i32
      %parallel_loop3A_143 = arith.index_cast %parallel_loop3A_142 : i32 to index
      %parallel_loop3A_144 = tpu.vector_load %arg18[%parallel_loop3A_143] {strides = array<i32>} : memref<4096xi32, #tpu.memory_space<vmem>>, vector<16xi32>,
      %parallel_loop3A_145 = arith.constant 16 : i32
      %parallel_loop3A_146 = arith.muli %parallel_loop3A_54, %parallel_loop3A_145 : i32
      %parallel_loop3A_147 = arith.constant 3840 : i32
      %parallel_loop3A_148 = arith.addi %parallel_loop3A_147, %parallel_loop3A_146 : i32
      %parallel_loop3A_149 = arith.index_cast %parallel_loop3A_148 : i32 to index
      %parallel_loop3A_150 = tpu.vector_load %arg18[%parallel_loop3A_149] {strides = array<i32>} : memref<4096xi32, #tpu.memory_space<vmem>>, vector<16xi32>,
      %parallel_loop3A_151 = arith.addi %parallel_loop3A_60, %parallel_loop3A_66 : vector<16xi32>
      %parallel_loop3A_152 = arith.addi %parallel_loop3A_72, %parallel_loop3A_78 : vector<16xi32>
      %parallel_loop3A_153 = arith.addi %parallel_loop3A_84, %parallel_loop3A_90 : vector<16xi32>
      %parallel_loop3A_154 = arith.addi %parallel_loop3A_96, %parallel_loop3A_102 : vector<16xi32>
      %parallel_loop3A_155 = arith.addi %parallel_loop3A_108, %parallel_loop3A_114 : vector<16xi32>
      %parallel_loop3A_156 = arith.addi %parallel_loop3A_120, %parallel_loop3A_126 : vector<16xi32>
      %parallel_loop3A_157 = arith.addi %parallel_loop3A_132, %parallel_loop3A_138 : vector<16xi32>
      %parallel_loop3A_158 = arith.addi %parallel_loop3A_144, %parallel_loop3A_150 : vector<16xi32>
      %parallel_loop3A_159 = arith.addi %parallel_loop3A_151, %parallel_loop3A_152 : vector<16xi32>
      %parallel_loop3A_160 = arith.addi %parallel_loop3A_153, %parallel_loop3A_154 : vector<16xi32>
      %parallel_loop3A_161 = arith.addi %parallel_loop3A_155, %parallel_loop3A_156 : vector<16xi32>
      %parallel_loop3A_162 = arith.addi %parallel_loop3A_157, %parallel_loop3A_158 : vector<16xi32>
      %parallel_loop3A_163 = arith.addi %parallel_loop3A_159, %parallel_loop3A_160 : vector<16xi32>
      %parallel_loop3A_164 = arith.addi %parallel_loop3A_161, %parallel_loop3A_162 : vector<16xi32>
      %parallel_loop3A_165 = arith.addi %parallel_loop3A_163, %parallel_loop3A_164 : vector<16xi32>
      %parallel_loop3A_166 = arith.constant 16 : i32
      %parallel_loop3A_167 = vector.broadcast %parallel_loop3A_166 : i32 to vector<16xi32>
      %parallel_loop3A_168 = arith.shrui %parallel_loop3A_165, %parallel_loop3A_167 : vector<16xi32>
      %parallel_loop3A_169 = arith.sitofp %parallel_loop3A_168 : vector<16xi32> to vector<16xf32>
      %parallel_loop3A_170 = arith.constant 16 : i32
      %parallel_loop3A_171 = arith.muli %parallel_loop3A_54, %parallel_loop3A_170 : i32
      %parallel_loop3A_172 = arith.constant 1024 : i32
      %parallel_loop3A_173 = arith.addi %parallel_loop3A_172, %parallel_loop3A_171 : i32
      %parallel_loop3A_174 = arith.index_cast %parallel_loop3A_173 : i32 to index
      %parallel_loop3A_175 = tpu.vector_load %arg19[%parallel_loop3A_174] {strides = array<i32>} : memref<1536xf32, #tpu.memory_space<vmem>>, vector<16xf32>,
      tpu.vector_store %arg19[%parallel_loop3A_174], %parallel_loop3A_169 {strides = array<i32>} : memref<1536xf32, #tpu.memory_space<vmem>>, vector<16xf32>,
      %parallel_loop3A_176 = arith.andi %parallel_loop3A_165, %broadcast_in_dim3A_41 : vector<16xi32>
      %parallel_loop3A_177 = arith.sitofp %parallel_loop3A_176 : vector<16xi32> to vector<16xf32>
      %parallel_loop3A_178 = arith.constant 16 : i32
      %parallel_loop3A_179 = arith.muli %parallel_loop3A_54, %parallel_loop3A_178 : i32
      %parallel_loop3A_180 = arith.constant 1280 : i32
      %parallel_loop3A_181 = arith.addi %parallel_loop3A_180, %parallel_loop3A_179 : i32
      %parallel_loop3A_182 = arith.index_cast %parallel_loop3A_181 : i32 to index
      %parallel_loop3A_183 = tpu.vector_load %arg19[%parallel_loop3A_182] {strides = array<i32>} : memref<1536xf32, #tpu.memory_space<vmem>>, vector<16xf32>,
      tpu.vector_store %arg19[%parallel_loop3A_182], %parallel_loop3A_177 {strides = array<i32>} : memref<1536xf32, #tpu.memory_space<vmem>>, vector<16xf32>,
    } {sc.loop_unroll_factor = 2 : i64, sc.parallel_access}
    "tpu.region"() ({
      %run_scoped3A = tpu.sem_alloc : memref<!tpu.dma_semaphore, #tpu.memory_space<semaphore_mem>>
      %dma_start3A = arith.constant 0 : i32
      %dma_start3A_54 = tpu.memref_slice %arg8[%add3A, %dma_start3A] : memref<32x1536xf32, #tpu.memory_space<hbm>> -> memref<1x1536xf32, #tpu.memory_space<hbm>>
      %dma_start3A_55 = tpu.memref_squeeze %dma_start3A_54 : memref<1x1536xf32, #tpu.memory_space<hbm>> -> memref<1536xf32, #tpu.memory_space<hbm>>
      %dma_start3A_56 = arith.constant 0 : i32
      %dma_start3A_57 = tpu.memref_slice %arg8[%add3A, %dma_start3A_56] : memref<32x1536xf32, #tpu.memory_space<hbm>> -> memref<1x1536xf32, #tpu.memory_space<hbm>>
      %dma_start3A_58 = tpu.memref_squeeze %dma_start3A_57 : memref<1x1536xf32, #tpu.memory_space<hbm>> -> memref<1536xf32, #tpu.memory_space<hbm>>
      tpu.enqueue_dma source(%arg19 : memref<1536xf32, #tpu.memory_space<vmem>>) target(%dma_start3A_58 : memref<1536xf32, #tpu.memory_space<hbm>>) target_semaphore(%run_scoped3A : memref<!tpu.dma_semaphore, #tpu.memory_space<semaphore_mem>>)
      %dma_wait3A = arith.constant 0 : i32
      %dma_wait3A_59 = tpu.memref_slice %arg8[%add3A, %dma_wait3A] : memref<32x1536xf32, #tpu.memory_space<hbm>> -> memref<1x1536xf32, #tpu.memory_space<hbm>>
      %dma_wait3A_60 = tpu.memref_squeeze %dma_wait3A_59 : memref<1x1536xf32, #tpu.memory_space<hbm>> -> memref<1536xf32, #tpu.memory_space<hbm>>
      %dma_wait3A_61 = arith.constant 0 : i32
      %dma_wait3A_62 = tpu.memref_slice %arg8[%add3A, %dma_wait3A_61] : memref<32x1536xf32, #tpu.memory_space<hbm>> -> memref<1x1536xf32, #tpu.memory_space<hbm>>
      %dma_wait3A_63 = tpu.memref_squeeze %dma_wait3A_62 : memref<1x1536xf32, #tpu.memory_space<hbm>> -> memref<1536xf32, #tpu.memory_space<hbm>>
      tpu.wait_dma2 semaphore(%run_scoped3A : memref<!tpu.dma_semaphore, #tpu.memory_space<semaphore_mem>>) src(%arg19 : memref<1536xf32, #tpu.memory_space<vmem>>) dst(%dma_wait3A_63 : memref<1536xf32, #tpu.memory_space<hbm>>)
      tpu.yield
    }) : () -> ()
    return
  }
}

module attributes {stable_mosaic.version = 14 : i64} {
  func.func @_dense_body(%arg0: memref<10000x128xf32, #tpu.memory_space<vmem>>, %arg1: memref<128x2xf32, #tpu.memory_space<vmem>>, %arg2: memref<256x2xf32, #tpu.memory_space<vmem>>, %arg3: memref<8x1xf32, #tpu.memory_space<vmem>>, %arg4: memref<10000xf32, #tpu.memory_space<vmem>>, %arg5: memref<10000xi32, #tpu.memory_space<vmem>>, %arg6: memref<10000xi32, #tpu.memory_space<vmem>>) attributes {dimension_semantics = [], scalar_prefetch = 0 : i64, scratch_operands = 0 : i64, tpu.core_type = #tpu.core_type<tc>} {
    %get3A = arith.constant 0 : index
    %get3A_0 = arith.constant 0 : index
    %get3A_1 = vector.load %arg0[%get3A, %get3A_0] : memref<10000x128xf32, #tpu.memory_space<vmem>>, vector<10000x128xf32>
    %get3A_2 = arith.constant 0 : index
    %get3A_3 = arith.constant 0 : index
    %get3A_4 = vector.load %arg1[%get3A_2, %get3A_3] : memref<128x2xf32, #tpu.memory_space<vmem>>, vector<128x2xf32>
    %dot_general3A = arith.constant dense<0.000000e+00> : vector<2x10000xf32>
    %dot_general3A_5 = tpu.matmul %get3A_4, %get3A_1, %dot_general3A {dimension_numbers = #tpu.dot_dimension_numbers<[0], [1], [1], [0], [0, 1, 1, 0], [], []>, transpose_lhs_hint = false} : vector<128x2xf32>, vector<10000x128xf32>, vector<2x10000xf32> -> vector<2x10000xf32>
    %get3A_6 = arith.constant 0 : index
    %get3A_7 = arith.constant 0 : index
    %get3A_8 = vector.load %arg3[%get3A_6, %get3A_7] : memref<8x1xf32, #tpu.memory_space<vmem>>, vector<2x1xf32>
    %add3A = vector.broadcast %get3A_8 : vector<2x1xf32> to vector<2x10000xf32>
    %add3A_9 = arith.addf %dot_general3A_5, %add3A : vector<2x10000xf32>
    %slice3A = vector.extract_strided_slice %add3A_9 {offsets = [0, 0], sizes = [1, 10000], strides = [1, 1]} : vector<2x10000xf32> to vector<1x10000xf32>
    %slice3A_10 = vector.extract_strided_slice %add3A_9 {offsets = [1, 0], sizes = [1, 10000], strides = [1, 1]} : vector<2x10000xf32> to vector<1x10000xf32>
    %max3A = arith.maximumf %slice3A, %slice3A_10 : vector<1x10000xf32>
    %sub3A = arith.subf %slice3A, %max3A : vector<1x10000xf32>
    %exp3A = math.exp %sub3A : vector<1x10000xf32>
    %sub3A_11 = arith.subf %slice3A_10, %max3A : vector<1x10000xf32>
    %exp3A_12 = math.exp %sub3A_11 : vector<1x10000xf32>
    %add3A_13 = arith.addf %exp3A, %exp3A_12 : vector<1x10000xf32>
    %div3A = arith.divf %exp3A, %add3A_13 : vector<1x10000xf32>
    %reshape3A = vector.shape_cast %div3A : vector<1x10000xf32> to vector<10000xf32>
    %swap3A = arith.constant 0 : index
    %swap3A_14 = vector.load %arg4[%swap3A] : memref<10000xf32, #tpu.memory_space<vmem>>, vector<10000xf32>
    tpu.vector_store %arg4[%swap3A], %reshape3A {strides = array<i32>} : memref<10000xf32, #tpu.memory_space<vmem>>, vector<10000xf32>,
    %get3A_15 = arith.constant 0 : index
    %get3A_16 = arith.constant 0 : index
    %get3A_17 = vector.load %arg2[%get3A_15, %get3A_16] : memref<256x2xf32, #tpu.memory_space<vmem>>, vector<128x2xf32>
    %dot_general3A_18 = arith.constant dense<0.000000e+00> : vector<2x10000xf32>
    %dot_general3A_19 = tpu.matmul %get3A_17, %get3A_1, %dot_general3A_18 {dimension_numbers = #tpu.dot_dimension_numbers<[0], [1], [1], [0], [0, 1, 1, 0], [], []>, transpose_lhs_hint = false} : vector<128x2xf32>, vector<10000x128xf32>, vector<2x10000xf32> -> vector<2x10000xf32>
    %get3A_20 = arith.constant 2 : index
    %get3A_21 = arith.constant 0 : index
    %get3A_22 = vector.load %arg3[%get3A_20, %get3A_21] : memref<8x1xf32, #tpu.memory_space<vmem>>, vector<2x1xf32>
    %add3A_23 = vector.broadcast %get3A_22 : vector<2x1xf32> to vector<2x10000xf32>
    %add3A_24 = arith.addf %dot_general3A_19, %add3A_23 : vector<2x10000xf32>
    %get3A_25 = arith.constant 128 : index
    %get3A_26 = arith.constant 0 : index
    %get3A_27 = vector.load %arg2[%get3A_25, %get3A_26] : memref<256x2xf32, #tpu.memory_space<vmem>>, vector<128x2xf32>
    %dot_general3A_28 = arith.constant dense<0.000000e+00> : vector<2x10000xf32>
    %dot_general3A_29 = tpu.matmul %get3A_27, %get3A_1, %dot_general3A_28 {dimension_numbers = #tpu.dot_dimension_numbers<[0], [1], [1], [0], [0, 1, 1, 0], [], []>, transpose_lhs_hint = false} : vector<128x2xf32>, vector<10000x128xf32>, vector<2x10000xf32> -> vector<2x10000xf32>
    %slice3A_30 = vector.extract_strided_slice %add3A_24 {offsets = [0, 0], sizes = [1, 10000], strides = [1, 1]} : vector<2x10000xf32> to vector<1x10000xf32>
    %slice3A_31 = vector.extract_strided_slice %add3A_24 {offsets = [1, 0], sizes = [1, 10000], strides = [1, 1]} : vector<2x10000xf32> to vector<1x10000xf32>
    %convert_element_type3A = arith.truncf %slice3A_30 : vector<1x10000xf32> to vector<1x10000xbf16>
    %bitcast_convert_type3A = tpu.bitcast %convert_element_type3A : vector<1x10000xbf16> -> vector<1x10000xi16>
    %convert_element_type3A_32 = arith.truncf %slice3A_31 : vector<1x10000xf32> to vector<1x10000xbf16>
    %bitcast_convert_type3A_33 = tpu.bitcast %convert_element_type3A_32 : vector<1x10000xbf16> -> vector<1x10000xi16>
    %convert_element_type3A_34 = arith.extui %bitcast_convert_type3A : vector<1x10000xi16> to vector<1x10000xi32>
    %shift_left3A = arith.constant 16 : i32
    %shift_left3A_35 = vector.broadcast %shift_left3A : i32 to vector<1x10000xi32>
    %shift_left3A_36 = arith.shli %convert_element_type3A_34, %shift_left3A_35 : vector<1x10000xi32>
    %convert_element_type3A_37 = arith.extui %bitcast_convert_type3A_33 : vector<1x10000xi16> to vector<1x10000xi32>
    %or3A = arith.ori %shift_left3A_36, %convert_element_type3A_37 : vector<1x10000xi32>
    %bitcast_convert_type3A_38 = tpu.bitcast %or3A : vector<1x10000xi32> -> vector<1x10000xi32>
    %reshape3A_39 = vector.shape_cast %bitcast_convert_type3A_38 : vector<1x10000xi32> to vector<10000xi32>
    %swap3A_40 = arith.constant 0 : index
    %swap3A_41 = vector.load %arg5[%swap3A_40] : memref<10000xi32, #tpu.memory_space<vmem>>, vector<10000xi32>
    tpu.vector_store %arg5[%swap3A_40], %reshape3A_39 {strides = array<i32>} : memref<10000xi32, #tpu.memory_space<vmem>>, vector<10000xi32>,
    %slice3A_42 = vector.extract_strided_slice %dot_general3A_29 {offsets = [0, 0], sizes = [1, 10000], strides = [1, 1]} : vector<2x10000xf32> to vector<1x10000xf32>
    %slice3A_43 = vector.extract_strided_slice %dot_general3A_29 {offsets = [1, 0], sizes = [1, 10000], strides = [1, 1]} : vector<2x10000xf32> to vector<1x10000xf32>
    %convert_element_type3A_44 = arith.truncf %slice3A_42 : vector<1x10000xf32> to vector<1x10000xbf16>
    %bitcast_convert_type3A_45 = tpu.bitcast %convert_element_type3A_44 : vector<1x10000xbf16> -> vector<1x10000xi16>
    %convert_element_type3A_46 = arith.truncf %slice3A_43 : vector<1x10000xf32> to vector<1x10000xbf16>
    %bitcast_convert_type3A_47 = tpu.bitcast %convert_element_type3A_46 : vector<1x10000xbf16> -> vector<1x10000xi16>
    %convert_element_type3A_48 = arith.extui %bitcast_convert_type3A_45 : vector<1x10000xi16> to vector<1x10000xi32>
    %shift_left3A_49 = arith.constant 16 : i32
    %shift_left3A_50 = vector.broadcast %shift_left3A_49 : i32 to vector<1x10000xi32>
    %shift_left3A_51 = arith.shli %convert_element_type3A_48, %shift_left3A_50 : vector<1x10000xi32>
    %convert_element_type3A_52 = arith.extui %bitcast_convert_type3A_47 : vector<1x10000xi16> to vector<1x10000xi32>
    %or3A_53 = arith.ori %shift_left3A_51, %convert_element_type3A_52 : vector<1x10000xi32>
    %bitcast_convert_type3A_54 = tpu.bitcast %or3A_53 : vector<1x10000xi32> -> vector<1x10000xi32>
    %reshape3A_55 = vector.shape_cast %bitcast_convert_type3A_54 : vector<1x10000xi32> to vector<10000xi32>
    %swap3A_56 = arith.constant 0 : index
    %swap3A_57 = vector.load %arg6[%swap3A_56] : memref<10000xi32, #tpu.memory_space<vmem>>, vector<10000xi32>
    tpu.vector_store %arg6[%swap3A_56], %reshape3A_55 {strides = array<i32>} : memref<10000xi32, #tpu.memory_space<vmem>>, vector<10000xi32>,
    return
  }
}

module attributes {stable_mosaic.version = 14 : i64} {
  func.func @_finish_body(%arg0: memref<32x1536xf32, #tpu.memory_space<vmem>>, %arg1: memref<1x256xf32, #tpu.memory_space<vmem>>, %arg2: memref<1x256xf32, #tpu.memory_space<vmem>>, %arg3: memref<1x256xf32, #tpu.memory_space<vmem>>, %arg4: memref<1x256xf32, #tpu.memory_space<vmem>>, %arg5: memref<1x256xf32, #tpu.memory_space<vmem>>, %arg6: memref<1x256xf32, #tpu.memory_space<vmem>>) attributes {dimension_semantics = [], scalar_prefetch = 0 : i64, scratch_operands = 0 : i64, tpu.core_type = #tpu.core_type<tc>} {
    %get3A = arith.constant 0 : index
    %get3A_0 = arith.constant 0 : index
    %get3A_1 = vector.load %arg0[%get3A, %get3A_0] : memref<32x1536xf32, #tpu.memory_space<vmem>>, vector<32x1536xf32>
    %reduce_sum3A = arith.constant dense<0.000000e+00> : vector<1536xf32>
    %reduce_sum3A_2 = vector.multi_reduction <add>, %get3A_1, %reduce_sum3A [0] : vector<32x1536xf32> to vector<1536xf32>
    %slice3A = vector.extract_strided_slice %reduce_sum3A_2 {offsets = [0], sizes = [256], strides = [1]} : vector<1536xf32> to vector<256xf32>
    %reshape3A = vector.shape_cast %slice3A : vector<256xf32> to vector<1x256xf32>
    %slice3A_3 = vector.extract_strided_slice %reduce_sum3A_2 {offsets = [256], sizes = [256], strides = [1]} : vector<1536xf32> to vector<256xf32>
    %reshape3A_4 = vector.shape_cast %slice3A_3 : vector<256xf32> to vector<1x256xf32>
    %slice3A_5 = vector.extract_strided_slice %reduce_sum3A_2 {offsets = [512], sizes = [256], strides = [1]} : vector<1536xf32> to vector<256xf32>
    %reshape3A_6 = vector.shape_cast %slice3A_5 : vector<256xf32> to vector<1x256xf32>
    %slice3A_7 = vector.extract_strided_slice %reduce_sum3A_2 {offsets = [768], sizes = [256], strides = [1]} : vector<1536xf32> to vector<256xf32>
    %reshape3A_8 = vector.shape_cast %slice3A_7 : vector<256xf32> to vector<1x256xf32>
    %slice3A_9 = vector.extract_strided_slice %reduce_sum3A_2 {offsets = [1024], sizes = [256], strides = [1]} : vector<1536xf32> to vector<256xf32>
    %reshape3A_10 = vector.shape_cast %slice3A_9 : vector<256xf32> to vector<1x256xf32>
    %slice3A_11 = vector.extract_strided_slice %reduce_sum3A_2 {offsets = [1280], sizes = [256], strides = [1]} : vector<1536xf32> to vector<256xf32>
    %reshape3A_12 = vector.shape_cast %slice3A_11 : vector<256xf32> to vector<1x256xf32>
    %add3A = arith.constant 9.99999993E-9 : f32
    %add3A_13 = vector.broadcast %add3A : f32 to vector<1x256xf32>
    %add3A_14 = arith.addf %reshape3A, %add3A_13 : vector<1x256xf32>
    %swap3A = arith.constant 0 : index
    %swap3A_15 = arith.constant 0 : index
    %swap3A_16 = vector.load %arg1[%swap3A, %swap3A_15] : memref<1x256xf32, #tpu.memory_space<vmem>>, vector<1x256xf32>
    tpu.vector_store %arg1[%swap3A, %swap3A_15], %add3A_14 {strides = array<i32>} : memref<1x256xf32, #tpu.memory_space<vmem>>, vector<1x256xf32>,
    %sub3A = arith.subf %reshape3A_4, %reshape3A : vector<1x256xf32>
    %add3A_17 = arith.constant 9.99999993E-9 : f32
    %add3A_18 = vector.broadcast %add3A_17 : f32 to vector<1x256xf32>
    %add3A_19 = arith.addf %sub3A, %add3A_18 : vector<1x256xf32>
    %swap3A_20 = arith.constant 0 : index
    %swap3A_21 = arith.constant 0 : index
    %swap3A_22 = vector.load %arg2[%swap3A_20, %swap3A_21] : memref<1x256xf32, #tpu.memory_space<vmem>>, vector<1x256xf32>
    tpu.vector_store %arg2[%swap3A_20, %swap3A_21], %add3A_19 {strides = array<i32>} : memref<1x256xf32, #tpu.memory_space<vmem>>, vector<1x256xf32>,
    %add3A_23 = arith.constant 9.99999993E-9 : f32
    %add3A_24 = vector.broadcast %add3A_23 : f32 to vector<1x256xf32>
    %add3A_25 = arith.addf %reshape3A_8, %add3A_24 : vector<1x256xf32>
    %swap3A_26 = arith.constant 0 : index
    %swap3A_27 = arith.constant 0 : index
    %swap3A_28 = vector.load %arg3[%swap3A_26, %swap3A_27] : memref<1x256xf32, #tpu.memory_space<vmem>>, vector<1x256xf32>
    tpu.vector_store %arg3[%swap3A_26, %swap3A_27], %add3A_25 {strides = array<i32>} : memref<1x256xf32, #tpu.memory_space<vmem>>, vector<1x256xf32>,
    %sub3A_29 = arith.subf %reshape3A_10, %reshape3A_8 : vector<1x256xf32>
    %add3A_30 = arith.constant 9.99999993E-9 : f32
    %add3A_31 = vector.broadcast %add3A_30 : f32 to vector<1x256xf32>
    %add3A_32 = arith.addf %sub3A_29, %add3A_31 : vector<1x256xf32>
    %swap3A_33 = arith.constant 0 : index
    %swap3A_34 = arith.constant 0 : index
    %swap3A_35 = vector.load %arg4[%swap3A_33, %swap3A_34] : memref<1x256xf32, #tpu.memory_space<vmem>>, vector<1x256xf32>
    tpu.vector_store %arg4[%swap3A_33, %swap3A_34], %add3A_32 {strides = array<i32>} : memref<1x256xf32, #tpu.memory_space<vmem>>, vector<1x256xf32>,
    %div3A = arith.divf %reshape3A_6, %reshape3A_4 : vector<1x256xf32>
    %swap3A_36 = arith.constant 0 : index
    %swap3A_37 = arith.constant 0 : index
    %swap3A_38 = vector.load %arg5[%swap3A_36, %swap3A_37] : memref<1x256xf32, #tpu.memory_space<vmem>>, vector<1x256xf32>
    tpu.vector_store %arg5[%swap3A_36, %swap3A_37], %div3A {strides = array<i32>} : memref<1x256xf32, #tpu.memory_space<vmem>>, vector<1x256xf32>,
    %div3A_39 = arith.divf %reshape3A_12, %reshape3A_10 : vector<1x256xf32>
    %swap3A_40 = arith.constant 0 : index
    %swap3A_41 = arith.constant 0 : index
    %swap3A_42 = vector.load %arg6[%swap3A_40, %swap3A_41] : memref<1x256xf32, #tpu.memory_space<vmem>>, vector<1x256xf32>
    tpu.vector_store %arg6[%swap3A_40, %swap3A_41], %div3A_39 {strides = array<i32>} : memref<1x256xf32, #tpu.memory_space<vmem>>, vector<1x256xf32>,
    return
  }
}

</mosaic_0001>

<sc_bundles>
// kernel: kernel.5.cloned.1.call-start
scs
__scs_entry_jumppad:
0x0: {  	(pc) =	sbr.rel $0x88, $3  }
0x1: {  	(tag) =	ssettag $0x0;
	lr =	simm.s32 $0x1  }
0x2: {  	[smem:$0x3F9A] =	sst lr;
	_ =	strace $0xD0000000  }
0x3: {  	_ = 	snop  }
0x4: {  	_ = 	snop  }
0x5: {  	_ = 	snop  }
0x6: {  	_ = 	snop  }
0x7: {  	_ = 	snop  }
__scs_overlays_trampoline_lowered:
0x8: {  	[smem:$0x3FA9] =	sst s0  }
0x9: {  	[smem:$0x3FAA] =	sst s1  }
0xa: {  	[smem:$0x3FAB] =	sst s2  }
0xb: {  	[smem:$0x3FAC] =	sst s3  }
0xc: {  	[smem:$0x3FAD] =	sst s4  }
0xd: {  	[smem:$0x3FAE] =	sst s5  }
0xe: {  	[smem:$0x3FAF] =	sst s6  }
0xf: {  	[smem:$0x3FB0] =	sst s7  }
0x10: {  	[smem:$0x3FB1] =	sst s8  }
0x11: {  	[smem:$0x3FB2] =	sst s9;
	s0 =	simm.s32 @!p0 $0x0  }
0x12: {  	s1 =	sld [smem:$0x3F98];
	s0 =	simm.s32 @p0 $0x1  }
0x13: {  	[smem:$0x3FB3] =	sst s0;
	s0 =	simm.s32 @!p1 $0x0  }
0x14: {  	s2 =	sld [smem:$0x3F97];
	s0 =	simm.s32 @p1 $0x1  }
0x15: {  	[smem:$0x3FB4] =	sst s0;
	s0 =	simm.s32 @!p2 $0x0  }
0x16: {  	s3 =	sld [smem:$0x3FDB];
	s0 =	simm.s32 @p2 $0x1  }
0x17: {  	s4 =	simm.s32 $0x1BF5;
	[smem:$0x3FB6] =	sst s0  }
0x18: {  	s0 =	sld [smem:$0x3F99];
	_ =	swait.ge [sflag:s4], $0x0  }
0x19: {  	s7 =	sld [smem:$0x3F9A]  }
0x1a: {  	s8 =	sadd.s32 $0xFFFFE003, lr  }
0x1b: {  	s9 =	sadd.s32 $0xFFFFFEF7, lr;
	s5 =	simm.s32 $0xFFFFFFFF;
	p2 =	slt.u32 s8, $0xFFFFF086  }
0x1c: {  	p1 =	slt.u32 s9, $0xF7A;
	s5 =	simm.s32 @!p2 $0x0  }
0x1d: {  	s5 =	simm.s32 @p1 $0x1;
	p0 =	seq.s32 s7, s2  }
0x1e: {  	s7 =	smul.u32 @!p0 $0xF7A, s2;
	p2 =	seq.s32 @!p0 s5, $0x0  }
0x1f: {  	s9 =	smul.u32 $0xF7A, s1;
	s8 =	simm.s32 @!p0 $0x1BF5;
	p2 =	por !p2, p0  }
0x20: {  	[sflag:s8] =	ssyncset.s32 @!p0 $0xFFFFF086;
	s6 =	sadd.s32 @!p0 s3, s7;
	s7 =	simm.s32 @!p0 $0x108  }
0x21: {  	s3 =	sadd.s32 s3, s9;
	s6 =	sadd.s32 @!p0 $0x88, s6;
	s7 =	simm.s32 @p2 $0x1082  }
0x22: {  	[simem:s7], [sflag:s8] =	dma.local @!p0 [hbm:s6], $0xF7A  }
0x23: {  	s9 =	sor.u32 $0xD0000000, s2;
	s6 =	simm.s32 $0x108;
	_ =	swait.ge @!p0 [sflag:s8], $0x0  }
0x24: {  	s3 =	sadd.s32 $0x88, s3;
	s6 =	simm.s32 @!p1 $0x1082;
	[sflag:s4] =	ssyncset.s32 $0xFFFFF086  }
0x25: {  	[simem:s6], [sflag:s4] =	dma.local [hbm:s3], $0xF7A  }
0x26: {  	[smem:$0x3F9A] =	sst s1;
	(tag) =	ssettag s2;
	_ =	strace s9  }
0x27: {  	s1 =	sld [smem:$0x3FAA]  }
0x28: {  	s2 =	sld [smem:$0x3FAB]  }
0x29: {  	s4 =	sld [smem:$0x3FAD]  }
0x2a: {  	p0 =	seq.s32 s5, $0x0;
	s5 =	sld [smem:$0x3FAE]  }
0x2b: {  	s6 =	sld [smem:$0x3FAF]  }
0x2c: {  	s7 =	sld [smem:$0x3FB0]  }
0x2d: {  	s3 =	simm.s32 $0x108;
	s8 =	sld [smem:$0x3FB1]  }
0x2e: {  	s3 =	simm.s32 @!p0 $0x1082;
	s9 =	sld [smem:$0x3FB2]  }
0x2f: {  	lr =	sadd.s32 s0, s3;
	s0 =	sld [smem:$0x3FA9]  }
0x30: {  	s3 =	sld [smem:$0x3FAC]  }
0x31: {  	[smem:$0x3FB5] =	sst s10  }
0x32: {  	s10 =	sld [smem:$0x3FB3];
	_ =	sdelay $0x3  }
0x33: {  	p0 =	seq.s32 s10, $0x1;
	s10 =	sld [smem:$0x3FB5];
	_ =	sdelay $0x3  }
0x34: {  	[smem:$0x3FB5] =	sst s10  }
0x35: {  	s10 =	sld [smem:$0x3FB4];
	_ =	sdelay $0x3  }
0x36: {  	p1 =	seq.s32 s10, $0x1;
	s10 =	sld [smem:$0x3FB5];
	_ =	sdelay $0x3  }
0x37: {  	[smem:$0x3FB5] =	sst s10  }
0x38: {  	s10 =	sld [smem:$0x3FB6]  }
0x39: {  	_ = 	snop;
	(pc) =	sbr.ind lr, $3  }
0x3a: {  	_ = 	snop  }
0x3b: {  	_ = 	snop  }
0x3c: {  	p2 =	seq.s32 s10, $0x1;
	s10 =	sld [smem:$0x3FB5]  }
0x3d: {  	_ =	shalt  }
0x3e: {  	_ =	shalt  }
0x3f: {  	_ =	shalt  }
0x40: {  	_ =	shalt  }
0x41: {  	_ =	shalt  }
0x42: {  	_ =	shalt  }
0x43: {  	_ =	shalt  }
0x44: {  	_ =	shalt  }
0x45: {  	_ =	shalt  }
0x46: {  	_ =	shalt  }
0x47: {  	_ =	shalt  }
0x48: {  	_ =	shalt  }
0x49: {  	_ =	shalt  }
0x4a: {  	_ =	shalt  }
0x4b: {  	_ =	shalt  }
0x4c: {  	_ =	shalt  }
0x4d: {  	_ =	shalt  }
0x4e: {  	_ =	shalt  }
0x4f: {  	_ =	shalt  }
0x50: {  	_ =	shalt  }
0x51: {  	_ =	shalt  }
0x52: {  	_ =	shalt  }
0x53: {  	_ =	shalt  }
0x54: {  	_ =	shalt  }
0x55: {  	_ =	shalt  }
0x56: {  	_ =	shalt  }
0x57: {  	_ =	shalt  }
0x58: {  	_ =	shalt  }
0x59: {  	_ =	shalt  }
0x5a: {  	_ =	shalt  }
0x5b: {  	_ =	shalt  }
0x5c: {  	_ =	shalt  }
0x5d: {  	_ =	shalt  }
0x5e: {  	_ =	shalt  }
0x5f: {  	_ =	shalt  }
0x60: {  	_ =	shalt  }
0x61: {  	_ =	shalt  }
0x62: {  	_ =	shalt  }
0x63: {  	_ =	shalt  }
0x64: {  	_ =	shalt  }
0x65: {  	_ =	shalt  }
0x66: {  	_ =	shalt  }
0x67: {  	_ =	shalt  }
0x68: {  	_ =	shalt  }
0x69: {  	_ =	shalt  }
0x6a: {  	_ =	shalt  }
0x6b: {  	_ =	shalt  }
0x6c: {  	_ =	shalt  }
0x6d: {  	_ =	shalt  }
0x6e: {  	_ =	shalt  }
0x6f: {  	_ =	shalt  }
0x70: {  	_ =	shalt  }
0x71: {  	_ =	shalt  }
0x72: {  	_ =	shalt  }
0x73: {  	_ =	shalt  }
0x74: {  	_ =	shalt  }
0x75: {  	_ =	shalt  }
0x76: {  	_ =	shalt  }
0x77: {  	_ =	shalt  }
0x78: {  	_ =	shalt  }
0x79: {  	_ =	shalt  }
0x7a: {  	_ =	shalt  }
0x7b: {  	_ =	shalt  }
0x7c: {  	_ =	shalt  }
0x7d: {  	_ =	shalt  }
0x7e: {  	_ =	shalt  }
0x7f: {  	_ =	shalt  }
0x80: {  	_ =	shalt  }
0x81: {  	_ =	shalt  }
0x82: {  	_ =	shalt  }
0x83: {  	_ =	shalt  }
0x84: {  	_ =	shalt  }
0x85: {  	_ =	shalt  }
0x86: {  	_ =	shalt  }
0x87: {  	_ =	shalt  }
.Lfunc_end0:
.L_simem_size_0:
called_computation_lowered:
.L_overlay_start_0:
0x88: {  	s2 =	sld [smem:$0x3FD9]  }
0x89: {  	s3 =	sld [smem:$0x3FFE];
	_ =	sdelay $0x1  }
0x8a: {  	s1 =	srdreg.scid  }
0x8b: {  	s0 =	sand.u32 $0x1, s1  }
0x8c: {  	s14 =	sshll.u32 s0, $0xA;
	s2 =	sadd.s32 s3, s2  }
0x8d: {  	s2 =	sadd.s32 s2, s14  }
0x8e: {  	[smem:$0x3FC1] =	sst s2  }
0x8f: {  	_ = 	snop  }
0x90: {  	s2 =	sld [smem:$0x3FD0];
	_ =	sdelay $0x1  }
0x91: {  	s15 =	sld [smem:$0x3FC8]  }
0x92: {  	s5 =	simm.s32 $0xA;
	s6 =	simm.s32 $0x10;
	s4 =	sld [smem:$0x3FC7]  }
0x93: {  	[smem:s6], [sflag:s5] =	dma.local [hbm:s2], $0x1  }
0x94: {  	_ =	swait.eq [sflag:s5], $0x1  }
0x95: {  	[sflag:s5] =	ssyncset.done $0x0  }
0x96: {  	[sflag:s5] =	ssyncadd.s32 $0xFFFFFFFF  }
0x97: {  	s16 =	sld [smem:$0x11];
	(tm) =	ssettm $0x1  }
0x98: {  	s17 =	sld [smem:$0x3FFB];
	_ =	sdelay $0x3  }
0x99: {  	_ =	strace s17  }
0x9a: {  	s5 =	sld [smem:$0x3FFC];
	_ =	sdelay $0x3  }
0x9b: {  	_ =	strace s5  }
0x9c: {  	s5 =	sld [smem:$0x3FFD];
	_ =	sdelay $0x3  }
0x9d: {  	_ =	strace s5  }
0x9e: {  	_ =	strace $0x8FFFFFFF  }
0x9f: {  	s18 =	sld [smem:$0x3FDB];
	_ =	sdelay $0x1  }
0xa0: {  	s19 =	simm.s32 $_scs_section_size  }
0xa1: {  	s7 =	simm.s32 $_size__tile_overlayer_lowered;
	s8 =	simm.s32 $_tile_overlayer_lowered  }
0xa2: {  	s22 =	simm.s32 $0x1BFF;
	s21 =	sshll.u32 s8, $0x1;
	s5 =	sadd.s32 s19, s18  }
0xa3: {  	s9 =	simm.s32 $0x0;
	s20 =	sshll.u32 s7, $0x1;
	s7 =	sadd.s32 s21, s5  }
0xa4: {  	[timem:s9], [sflag:s22] =	dma.local [hbm:s7], s20  }
0xa5: {  	_ =	swait.ge [sflag:s22], s20  }
0xa6: {  	s6 =	ssub.s32 $0x0, s20;
	[sflag:s22] =	ssyncset.done $0x0  }
0xa7: {  	[sflag:s22] =	ssyncadd.s32 s6;
	_ =	sdelay $0x1  }
0xa8: {  	s23 =	simm.s32 $0x1B8B  }
0xa9: {  	_ =	swait.ge [sflag:s23], $0x1  }
0xaa: {  	[sflag:s23] =	ssyncset.done $0x0  }
0xab: {  	s25 =	simm.s32 $0x1B8E;
	s24 =	sld [smem:$0x3FFE];
	[sflag:s23] =	ssyncadd.s32 $0xFFFFFFFF  }
0xac: {  	s26 =	simm.s32 $execute0_lowered;
	[smem:$0x3FD2] =	sst s25  }
0xad: {  	s7 =	sshll.u32 s26, $0x1;
	_ =	strace $0x80000046;
	[dreg:$0x1] =	wrdreg $0xFFFFFFFF  }
0xae: {  	s28 =	simm.s32 $_size_execute0_lowered;
	s5 =	sadd.s32 s5, s7;
	[dreg:$0x0] =	wrdreg $0x0  }
0xaf: {  	s7 =	sshll.u32 s28, $0x1;
	[dreg:$0x2] =	wrdreg s5  }
0xb0: {  	[dreg:$0x3] =	wrdreg s7  }
0xb1: {  	[dreg:$0x4] =	wrdreg $0xC0  }
0xb2: {  	_ =	task [dreg:s9], $0x5FFFF  }
0xb3: {  	[dreg:$0x1] =	wrdreg $0xFFFFFFFF  }
0xb4: {  	[dreg:$0x0] =	wrdreg $0x60  }
0xb5: {  	[dreg:$0x2] =	wrdreg s24  }
0xb6: {  	[dreg:$0x3] =	wrdreg s4  }
0xb7: {  	[dreg:$0x4] =	wrdreg s15  }
0xb8: {  	[dreg:$0x5] =	wrdreg s16  }
0xb9: {  	[dreg:$0x6] =	wrdreg $0x9  }
0xba: {  	_ =	task.clear_ibuf [dreg:s9], $0x7FFFF;
	_ =	strace $0x90000046  }
0xbb: {  	s29 =	simm.s32 $0x9;
	_ =	strace $0x80000048  }
0xbc: {  	_ =	swait.ge [sflag:s29], $0x1  }
0xbd: {  	[sflag:s29] =	ssyncadd.s32 $0xFFFFFFFF  }
0xbe: {  	_ =	strace $0x90000048  }
0xbf: {  	_ =	sfence  }
0xc0: {  	s30 =	sld [smem:$0x0];
	_ =	sdelay $0x2  }
0xc1: {  	s31 =	sshll.u32 s1, $0xD;
	s1 =	sshrl.u32 s1, $0x2  }
0xc2: {  	s3 =	sand.u32 $0x4000, s31;
	s1 =	sadd.s32 s1, s30  }
0xc3: {  	s0 =	sor.u32 s3, s0;
	s1 =	sshll.u32 s1, $0x11  }
0xc4: {  	s0 =	sor.u32 s1, s0  }
0xc5: {  	s0 =	sadd.s32 $0x8F2B, s0  }
0xc6: {  	[sflag:s0] =	ssyncadd.remote.s32 $0x1  }
0xc7: {  	_ =	sfence.sel $0xFFFF  }
0xc8: {  	[dreg:$0x0] =	wrdreg $0xFFFFFFFF;
	(pc) =	sbr.abs _section_cstart, $3  }
0xc9: {  	[dreg:$0x1] =	wrdreg $0xFFFFFFFF  }
0xca: {  	_ =	task.clear_ibuf [dreg:s9], $0x2FFFF;
	_ =	strace $0x9FFFFFFF  }
0xcb: {  	(tm) =	ssettm $0x7FFFFFFF  }
tec
execute0_lowered:
.L_overlay_start_1:
0x0: {  	(tag) =	ssettag $0x1  }
0x1: {  	s0 =	rddreg [dreg:$0x0]  }
0x2: {  	s1 =	rddreg [dreg:$0x2]  }
0x3: {  	s2 =	rddreg [dreg:$0x3];
	s4 =	srdreg.scid  }
0x4: {  	s16 =	stileid.u32;
	s3 =	simm.s32 $0x0;
	s17 =	simm.s32 $0x4F00  }
0x5: {  	s18 =	simm.s32 $0x1;
	s19 =	simm.s32 $0x11000;
	s20 =	simm.s32 $0x12000  }
0x6: {  	s21 =	simm.s32 $0xF000;
	s28 =	simm.s32 $0x0;
	s7 =	sand.u32 $0x1, s4  }
0x7: {  	s22 =	sshll.u32 s16, $0x1;
	s5 =	sshrl.u32 s16, $0x2;
	s26 =	smul.u32 $0xA00, s16  }
0x8: {  	[smem:$0x7FF] =	sst s3;
	s4 =	sadd.s32 $0x1E00, s0;
	s9 =	smul.u32 $0x3000, s5  }
0x9: {  	s16 =	simm.s32 $0x2780;
	s6 =	sor.u32 s7, s22;
	s29 =	smul.u32 $0x500, s7  }
0xa: {  	_ =	strace $0x80000047;
	s5 =	sadd.s32 $0x2400, s0;
	s8 =	smul.u32 $0x28, s6  }
0xb: {  	s24 =	ssub.s32 $0x2, s7;
	s22 =	simm.s32 $0x10000;
	s25 =	smul.u32 $0xA00, s6  }
0xc: {  	s10 =	sshll.u32 s6, $0x7;
	s12 =	sshrl.u32 s24, $0x1;
	s13 =	smul.u32 $0x500, s6  }
0xd: {  	p0 =	seq.s32 s6, $0x1F;
	s6 =	simm.s32 $0xA0;
	s23 =	sand.u32 $0x380, s10  }
0xe: {  	s15 =	ssub.s32 s24, s12;
	s6 =	simm.s32 @!p0 $0x280;
	s30 =	sadd.s32 s29, s26  }
0xf: {  	s12 =	sadd.s32 $0x1CD8, s0;
	s26 =	simm.s32 $0x2;
	s11 =	sadd.s32 s8, s0  }
0x10: {  	s8 =	sor.u32 s9, s23;
	s7 =	sadd.s32 s1, s25;
	s9 =	sadd.s32 s2, s13  }
0x11: {  	s31 =	sshrl.u32 s30, $0x2;
	s8 =	sshrl.u32 s8, $0x3;
	s10 =	sadd.s32 $0x1800, s11  }
0x12: {  	v0 =	vimm.f32 $0.0e+00;
	v2 =	vlaneseq.u32;
	s11 =	sadd.s32 $0x9B00, s2;
	s14 =	sadd.s32 s8, s0;
	s8 =	sadd.s32 $0x13600, s1  }
0x13: {  	v1 =	vimm.s32 $0x0;
	v3 =	vimm.s32 $0x10000;
	v2 =	vmul.u32 $0x100, v2;
	s13 =	sadd.s32 $0x2A00, s14;
	s14 =	smax.u32 s15, $0x1;
	s15 =	sadd.s32 $0x4F00, s31  }
.LBB2_1:
0x14: {  	[tilespmem:s3], [sflag:$0x1] =	stream.linear.gather [hbm4b:s4+s3], $0x2780, $0x38;
	[tilespmem:$0x13600] =	vst v63  }
0x15: {  	_ = 	snop  }
0x16: {  	[tilespmem:s16], [sflag:$0x1] =	stream.linear.gather [hbm4b:s5+s3], $0x2780, $0x38;
	[tilespmem:$0x13600] =	vst v63  }
0x17: {  	s0 =	rddreg [dreg:$0x1]  }
0x18: {  	[tilespmem:s17], [sflag:$0x1] =	stream.linear.gather [hbm4b:s0+s3], $0x2780, $0x38;
	[tilespmem:$0x13600] =	vst v63  }
0x19: {  	s1 =	simm.s32 @p0 $0x7800;
	s0 =	simm.s32 @p0 $0x0  }
0x1a: {  	[tilespmem:s1], [sflag:$0x2] =	stream.linear.gather @p0 [hbm4b:s8+s0], $0x1400, $0x38;
	[tilespmem:$0x13600] =	vst v63  }
0x1b: {  	s0 =	simm.s32 @p0 $0x2  }
0x1c: {  	_ =	swait.ge @p0 [sflag:s0], $0x1400  }
0x1d: {  	[sflag:s0] =	ssyncset.done @p0 $0x0  }
0x1e: {  	s1 =	simm.s32 @!p0 $0x7800;
	[sflag:s0] =	ssyncadd.s32 @p0 $0xFFFFEC00;
	s0 =	simm.s32 @!p0 $0x0  }
0x1f: {  	[tilespmem:s1], [sflag:$0x2] =	stream.linear.gather @!p0 [hbm4b:s7+s0], $0x5000, $0x38;
	[tilespmem:$0x13600] =	vst v63  }
0x20: {  	s0 =	simm.s32 @!p0 $0x2  }
0x21: {  	_ =	swait.ge @!p0 [sflag:s0], $0x5000  }
0x22: {  	[sflag:s0] =	ssyncset.done @!p0 $0x0  }
0x23: {  	s2 =	simm.s32 $0x11040;
	[sflag:s0] =	ssyncadd.s32 @!p0 $0xFFFFB000  }
0x24: {  	[tilespmem:s2+$0x30] =	vst v0  }
0x25: {  	[tilespmem:s2+$0xFFFFFFE0] =	vst v0  }
0x26: {  	[tilespmem:s2+$0xFFFFFFF0] =	vst v0  }
0x27: {  	[tilespmem:s2+$0x0] =	vst v0  }
0x28: {  	[tilespmem:s2+$0xFFFFFFC0] =	vst v0  }
0x29: {  	[tilespmem:s2+$0x10] =	vst v0  }
0x2a: {  	[tilespmem:s2+$0x20] =	vst v0  }
0x2b: {  	s1 =	simm.s32 $0x12040;
	[tilespmem:s2+$0xFFFFFFD0] =	vst v0  }
0x2c: {  	[tilespmem:s1+$0x30] =	vst v1  }
0x2d: {  	[tilespmem:s1+$0xFFFFFFC0] =	vst v1  }
0x2e: {  	[tilespmem:s1+$0x10] =	vst v1  }
0x2f: {  	[tilespmem:s1+$0xFFFFFFD0] =	vst v1  }
0x30: {  	[tilespmem:s1+$0x20] =	vst v1  }
0x31: {  	[tilespmem:s1+$0x0] =	vst v1  }
0x32: {  	s0 =	simm.s32 $0xF040;
	[tilespmem:s1+$0xFFFFFFF0] =	vst v1  }
0x33: {  	[tilespmem:s0+$0x30] =	vst v0  }
0x34: {  	[tilespmem:s0+$0xFFFFFFC0] =	vst v0  }
0x35: {  	[tilespmem:s0+$0x10] =	vst v0  }
0x36: {  	[tilespmem:s0+$0xFFFFFFD0] =	vst v0  }
0x37: {  	[tilespmem:s0+$0x20] =	vst v0  }
0x38: {  	[tilespmem:s0+$0x0] =	vst v0  }
0x39: {  	s23 =	simm.s32 $0x10040;
	[tilespmem:s0+$0xFFFFFFF0] =	vst v0  }
0x3a: {  	[tilespmem:s23+$0x30] =	vst v1  }
0x3b: {  	[tilespmem:s23+$0xFFFFFFC0] =	vst v1  }
0x3c: {  	[tilespmem:s23+$0x10] =	vst v1  }
0x3d: {  	[tilespmem:s23+$0xFFFFFFD0] =	vst v1  }
0x3e: {  	s24 =	simm.s32 $0x0;
	s29 =	simm.s32 $0xF0C0;
	s30 =	simm.s32 $0x100C0;
	[tilespmem:s23+$0x20] =	vst v1  }
.LBB2_2:
0x3f: {  	s24 =	sadd.s32 $0x8, s24;
	[tilespmem:s1+$0xFFFFFFE0] =	vst v1;
	s2 =	sadd.s32 $0x80, s2;
	s1 =	sadd.s32 $0x80, s1  }
0x40: {  	[tilespmem:s2+$0x30] =	vst v0;
	p1 =	slt.u32 s24, $0xF8  }
0x41: {  	[tilespmem:s1+$0x30] =	vst v1  }
0x42: {  	[tilespmem:s29+$0x30] =	vst v0  }
0x43: {  	[tilespmem:s23+$0xFFFFFFF0] =	vst v1  }
0x44: {  	[tilespmem:s23+$0x0] =	vst v1  }
0x45: {  	[tilespmem:s0+$0xFFFFFFE0] =	vst v0;
	s0 =	smov.u32 s29  }
0x46: {  	[tilespmem:s23+$0xFFFFFFE0] =	vst v1;
	s23 =	smov.u32 s30  }
0x47: {  	[tilespmem:s30+$0x30] =	vst v1  }
0x48: {  	[tilespmem:s2+$0xFFFFFFE0] =	vst v0  }
0x49: {  	[tilespmem:s2+$0xFFFFFFF0] =	vst v0  }
0x4a: {  	[tilespmem:s2+$0x0] =	vst v0  }
0x4b: {  	[tilespmem:s2+$0xFFFFFFC0] =	vst v0  }
0x4c: {  	[tilespmem:s1+$0xFFFFFFC0] =	vst v1  }
0x4d: {  	[tilespmem:s29+$0xFFFFFFC0] =	vst v0  }
0x4e: {  	[tilespmem:s30+$0xFFFFFFC0] =	vst v1  }
0x4f: {  	[tilespmem:s2+$0x10] =	vst v0  }
0x50: {  	[tilespmem:s1+$0x10] =	vst v1  }
0x51: {  	[tilespmem:s29+$0x10] =	vst v0  }
0x52: {  	[tilespmem:s30+$0x10] =	vst v1  }
0x53: {  	[tilespmem:s2+$0x20] =	vst v0  }
0x54: {  	[tilespmem:s2+$0xFFFFFFD0] =	vst v0  }
0x55: {  	[tilespmem:s1+$0xFFFFFFD0] =	vst v1  }
0x56: {  	[tilespmem:s29+$0xFFFFFFD0] =	vst v0  }
0x57: {  	[tilespmem:s30+$0xFFFFFFD0] =	vst v1  }
0x58: {  	[tilespmem:s1+$0x20] =	vst v1  }
0x59: {  	[tilespmem:s29+$0x20] =	vst v0  }
.Ltmp0:
0x5a: {  	[tilespmem:s30+$0x20] =	vst v1;
	(pc) =	sbr.rel @p1 .LBB2_2-.Ltmp0, $4  }
0x5b: {  	[tilespmem:s1+$0x0] =	vst v1  }
0x5c: {  	[tilespmem:s29+$0x0] =	vst v0  }
0x5d: {  	[tilespmem:s1+$0xFFFFFFF0] =	vst v1  }
0x5e: {  	s30 =	sadd.s32 $0x80, s30;
	s29 =	sadd.s32 $0x80, s29;
	[tilespmem:s0+$0xFFFFFFF0] =	vst v0  }
0x5f: {  	[tilespmem:s1+$0xFFFFFFE0] =	vst v1  }
0x60: {  	[tilespmem:s23+$0xFFFFFFF0] =	vst v1  }
0x61: {  	[tilespmem:s23+$0x0] =	vst v1  }
0x62: {  	[tilespmem:s0+$0xFFFFFFE0] =	vst v0  }
0x63: {  	[tilespmem:s23+$0xFFFFFFE0] =	vst v1  }
0x64: {  	_ =	swait.ge [sflag:s18], $0x2780  }
0x65: {  	[sflag:s18] =	ssyncset.done $0x0  }
0x66: {  	[sflag:s18] =	ssyncadd.s32 $0xFFFFD880  }
0x67: {  	_ =	swait.ge [sflag:s18], $0x2780  }
0x68: {  	[sflag:s18] =	ssyncset.done $0x0  }
0x69: {  	[sflag:s18] =	ssyncadd.s32 $0xFFFFD880  }
0x6a: {  	_ =	swait.ge [sflag:s18], $0x2780  }
0x6b: {  	[sflag:s18] =	ssyncset.done $0x0  }
0x6c: {  	s30 =	simm.s32 $0x7880;
	[sflag:s18] =	ssyncadd.s32 $0xFFFFD880  }
0x6d: {  	v35 =	vld [tilespmem:s30+$0xFFFFFFA0]  }
0x6e: {  	v31 =	vld [tilespmem:s30+$0xFFFFFF90]  }
0x6f: {  	v12 =	vld [tilespmem:s30+$0x10]  }
0x70: {  	v7 =	vld [tilespmem:s30+$0x70]  }
0x71: {  	v5 =	vld [tilespmem:s30+$0xFFFFFFE0]  }
0x72: {  	v8 =	vld [tilespmem:s30+$0x60]  }
0x73: {  	v23 =	vld [tilespmem:s30+$0xFFFFFFB0]  }
0x74: {  	v19 =	vld [tilespmem:s30+$0xFFFFFFF0]  }
0x75: {  	v22 =	vld [tilespmem:s30+$0xFFFFFFD0]  }
0x76: {  	v4 =	vld [tilespmem:s30+$0xFFFFFFC0]  }
0x77: {  	v6 =	vld [tilespmem:s30+$0xFFFFFF80]  }
0x78: {  	v9 =	vld [tilespmem:s30+$0x40]  }
0x79: {  	v10 =	vld.idx.msk [tilespmem:v5+s3+$0x0], $0xffff  }
0x7a: {  	v8 =	vld.idx.msk [tilespmem:v8+s16+$0x0], $0xffff  }
0x7b: {  	v11 =	vld [tilespmem:s30+$0x50]  }
0x7c: {  	v32 =	vld [tilespmem:s30+$0x30]  }
0x7d: {  	p3 =	sgt.u32 s6, $0x8;
	v27 =	vld [tilespmem:s30+$0x0]  }
.Ltmp1:
0x7e: {  	v33 =	vld.idx.msk [tilespmem:v19+s3+$0x0], $0xffff;
	v13 =	vand.u32 $0xFFFF0000, v10;
	(pc) =	sbr.rel @!p3 .LBB2_4-.Ltmp1, $4  }
0x7f: {  	v38 =	vld.idx.msk [tilespmem:v7+s16+$0x0], $0xffff;
	v7 =	vshll.u32 v10, $0x10;
	v10 =	vand.u32 $0xFFFF0000, v8;
	v8 =	vshll.u32 v8, $0x10  }
0x80: {  	v40 =	vld.idx.msk [tilespmem:v6+s3+$0x0], $0xffff;
	v55 =	vadd.f32 v10, v13;
	v54 =	vadd.f32 v8, v7  }
0x81: {  	v43 =	vld.idx.msk [tilespmem:v4+s3+$0x0], $0xffff  }
0x82: {  	s29 =	simm.s32 $0xC840;
	p1 =	por $0x0, $0x0;
	p2 =	por $0x0, $0x0;
	v45 =	vld.idx.msk [tilespmem:v9+s16+$0x0], $0xffff;
	v56 =	vmax.f32 v55, v54  }
0x83: {  	_ =	sdelay $0x2  }
0x84: {  	v7 =	vsub.f32 v55, v56;
	v9 =	vld [tilespmem:s30+$0x20];
	v13 =	vsub.f32 v54, v56  }
0x85: {  	v10 =	vld.idx.msk [tilespmem:v32+s16+$0x0], $0xffff;
	v14 =	vshll.u32 v33, $0x10;
	v16 =	vand.u32 $0xFFFF0000, v33;
	v15 =	vshll.u32 v38, $0x10  }
0x86: {  	v25 =	vld.idx.msk [tilespmem:v27+s16+$0x0], $0xffff;
	v8 =	vand.u32 $0xFFFF0000, v38;
	v7 =	vmul.f32 $1.442695020e+00, v7;
	v14 =	vadd.f32 v15, v14  }
0x87: {  	v12 =	vld.idx.msk [tilespmem:v12+s16+$0x0], $0xffff;
	v17 =	vand.u32 $0xFFFF0000, v40;
	v8 =	vadd.f32 v8, v16;
	v13 =	vmul.f32 $1.442695020e+00, v13  }
0x88: {  	v15 =	vld.idx.msk [tilespmem:v23+s3+$0x0], $0xffff;
	v18 =	vshll.u32 v43, $0x10;
	v21 =	vand.u32 $0xFFFF0000, v43;
	v20 =	vshll.u32 v45, $0x10  }
0x89: {  	v24 =	vand.u32 $0xFFFF0000, v45;
	(erf) = vpow2.f32 v7;
	v27 =	vmax.f32 v8, v14  }
0x8a: {  	v16 =	vld.idx.msk [tilespmem:v31+s3+$0x0], $0xffff;
	v18 =	vadd.f32 v20, v18;
	v20 =	vshll.u32 v40, $0x10;
	v21 =	vadd.f32 v24, v21  }
0x8b: {  	v24 =	vshll.u32 v10, $0x10;
	v10 =	vand.u32 $0xFFFF0000, v10;
	v28 =	vand.u32 $0xFFFF0000, v25  }
0x8c: {  	(erf) = vpow2.f32 v13;
	v14 =	vsub.f32 v14, v27;
	v13 =	vadd.f32 v28, v17  }
0x8d: {  	v17 =	vand.u32 $0xFFFF0000, v12;
	v7 =	vand.u32 $0xFFFF0000, v15;
	v15 =	vshll.u32 v15, $0x10  }
0x8e: {  	v26 =	vmax.f32 v21, v18;
	v7 =	vadd.f32 v10, v7;
	v24 =	vadd.f32 v24, v15  }
0x8f: {  	v12 =	vshll.u32 v12, $0x10;
	v28 =	vand.u32 $0xFFFF0000, v16;
	v9 =	vld.idx.msk [tilespmem:v9+s16+$0x0], $0xffff;
	v21 =	vsub.f32 v21, v26  }
0x90: {  	v10 =	vld.idx.msk [tilespmem:v35+s3+$0x0], $0xffff;
	v15 =	vshll.u32 v25, $0x10;
	v18 =	vsub.f32 v18, v26;
	v25 =	vmax.f32 v7, v24  }
0x91: {  	v16 =	vshll.u32 v16, $0x10;
	v15 =	vadd.f32 v15, v20;
	v7 =	vsub.f32 v7, v25  }
0x92: {  	v12 =	vadd.f32 v12, v16;
	v17 =	vadd.f32 v17, v28  }
0x93: {  	s0 =	simm.s32 $0x7980;
	v16 =	vmul.f32 $1.442695020e+00, v18;
	v18 =	vmax.f32 v13, v15;
	v7 =	vmul.f32 $1.442695020e+00, v7  }
0x94: {  	v42 =	vld [tilespmem:s0+$0x40];
	v13 =	vsub.f32 v13, v18;
	v15 =	vsub.f32 v15, v18  }
0x95: {  	v18 =	vmax.f32 v17, v12;
	v20 =	vshll.u32 v9, $0x10;
	v26 =	vand.u32 $0xFFFF0000, v10  }
0x96: {  	v9 =	vand.u32 $0xFFFF0000, v9;
	v30 =	vpop (erf);
	v10 =	vshll.u32 v10, $0x10;
	v13 =	vmul.f32 $1.442695020e+00, v13  }
0x97: {  	v37 =	vld.idx.msk [tilespmem:v11+s16+$0x0], $0xffff;
	v11 =	vsub.f32 v17, v18;
	v15 =	vmul.f32 $1.442695020e+00, v15;
	(erf) = vpow2.f32 v7;
	v7 =	vpop (erf)  }
0x98: {  	v12 =	vsub.f32 v12, v18;
	(erf) = vpow2.f32 v13;
	v7 =	vadd.f32 v7, v30  }
0x99: {  	v9 =	vadd.f32 v9, v26;
	v10 =	vadd.f32 v20, v10;
	(erf) = vpow2.f32 v15  }
0x9a: {  	v34 =	vld.idx.msk [tilespmem:v22+s3+$0x0], $0xffff;
	v17 =	vmul.f32 $1.442695020e+00, v14;
	(erf) = vrcp.f32 v7;
	v7 =	vsub.f32 v8, v27  }
0x9b: {  	v32 =	vld [tilespmem:s0+$0x30];
	v8 =	vmul.f32 $1.442695020e+00, v12;
	(erf) = vpow2.f32 v16;
	v16 =	vmax.f32 v9, v10  }
0x9c: {  	v45 =	vld.idx.msk [tilespmem:v42+s16+$0x0], $0xffff;
	v11 =	vmul.f32 $1.442695020e+00, v11;
	(erf) = vpow2.f32 v17;
	v9 =	vsub.f32 v9, v16  }
0x9d: {  	v15 =	vld [tilespmem:s0+$0xFFFFFFE0];
	v7 =	vmul.f32 $1.442695020e+00, v7;
	(erf) = vpow2.f32 v8  }
0x9e: {  	v10 =	vsub.f32 v10, v16;
	(erf) = vpow2.f32 v11;
	v11 =	vld [tilespmem:s0+$0x60];
	v9 =	vmul.f32 $1.442695020e+00, v9  }
0x9f: {  	v14 =	vld [tilespmem:s0+$0xFFFFFF90];
	v17 =	vmul.f32 $1.442695020e+00, v21;
	(erf) = vpow2.f32 v7;
	v7 =	vsub.f32 v24, v25  }
0xa0: {  	v18 =	vld [tilespmem:s0+$0xFFFFFFD0];
	v10 =	vmul.f32 $1.442695020e+00, v10;
	v36 =	vpop (erf)  }
0xa1: {  	v20 =	vld [tilespmem:s0+$0xFFFFFF80];
	(erf) = vpow2.f32 v17;
	v28 =	vpop (erf);
	v7 =	vmul.f32 $1.442695020e+00, v7  }
0xa2: {  	v13 =	vld [tilespmem:s0+$0xFFFFFFA0];
	(erf) = vpow2.f32 v9;
	v9 =	vpop (erf)  }
0xa3: {  	v8 =	vld [tilespmem:s0+$0x70];
	(erf) = vpow2.f32 v10;
	v9 =	vadd.f32 v9, v28  }
0xa4: {  	v21 =	vld [tilespmem:s0+$0xFFFFFFC0];
	v10 =	vpop (erf)  }
0xa5: {  	v59 =	vld.idx.msk [tilespmem:v15+s3+$0x0], $0xffff;
	(erf) = vpow2.f32 v7;
	v7 =	vpop (erf)  }
0xa6: {  	(erf) = vrcp.f32 v9;
	v60 =	vpop (erf);
	v61 =	vld.idx.msk [tilespmem:v11+s16+$0x0], $0xffff  }
0xa7: {  	v17 =	vld [tilespmem:s0+$0xFFFFFFF0];
	v9 =	vpop (erf)  }
0xa8: {  	v12 =	vld [tilespmem:s0+$0x10];
	v29 =	vpop (erf)  }
0xa9: {  	v41 =	vand.u32 $0xFFFF0000, v34;
	v46 =	vshll.u32 v34, $0x10;
	v47 =	vand.u32 $0xFFFF0000, v37;
	v27 =	vld [tilespmem:s0+$0x0];
	v24 =	vpop (erf)  }
0xaa: {  	p3 =	sgt.u32 s6, $0x10;
	v16 =	vld [tilespmem:s0+$0xFFFFFFB0];
	v25 =	vmul.f32 v10, v30;
	v44 =	vadd.f32 v9, v29;
	v26 =	vpop (erf);
	v9 =	vadd.f32 v60, v24  }
.Ltmp2:
0xab: {  	v10 =	vand.u32 $0xFFFF0000, v59;
	v30 =	vshll.u32 v59, $0x10;
	v38 =	vld.idx.msk [tilespmem:v8+s16+$0x0], $0xffff;
	v39 =	vpop (erf);
	v8 =	vand.u32 $0xFFFF0000, v61;
	(pc) =	sbr.rel @!p3 .LBB2_6-.Ltmp2, $4  }
0xac: {  	v40 =	vld.idx.msk [tilespmem:v20+s3+$0x0], $0xffff;
	v7 =	vadd.f32 v7, v26;
	v63 =	vshll.u32 v61, $0x10;
	v62 =	vpop (erf);
	v55 =	vadd.f32 v8, v10  }
0xad: {  	v43 =	vld.idx.msk [tilespmem:v21+s3+$0x0], $0xffff;
	(erf) = vrcp.f32 v9;
	v54 =	vadd.f32 v63, v30;
	v34 =	vadd.f32 v62, v39  }
0xae: {  	v50 =	vshll.u32 v37, $0x10;
	v11 =	vld [tilespmem:s0+$0x50];
	vm0 =	vgt.f32 v25, $0.0e+00;
	(erf) = vrcp.f32 v7;
	v9 =	vpop (erf)  }
0xaf: {  	p1 =	por $0x1, $0x1;
	[tilespmem:s29+$0x20] =	vst v25;
	v33 =	vld.idx.msk [tilespmem:v17+s3+$0x0], $0xffff;
	v56 =	vmax.f32 v55, v54;
	v57 =	vadd.f32 v9, v36;
	v37 =	vpop (erf);
	(erf) = vrcp.f32 v34  }
0xb0: {  	_ =	sdelay $0x3  }
0xb1: {  	v7 =	vld.idx.msk [tilespmem:v32+s16+$0x0], $0xffff  }
0xb2: {  	v8 =	vld [tilespmem:s0+$0x20]  }
0xb3: {  	v9 =	vld.idx.msk [tilespmem:v16+s3+$0x0], $0xffff;
	v10 =	vsub.f32 v55, v56;
	v30 =	vand.u32 $0xFFFF0000, v38;
	v61 =	vsub.f32 v54, v56  }
0xb4: {  	v48 =	vld.idx.msk [tilespmem:v18+s3+$0x0], $0xffff;
	v62 =	vshll.u32 v38, $0x10;
	v41 =	vadd.f32 v47, v41;
	v59 =	vand.u32 $0xFFFF0000, v45  }
0xb5: {  	v42 =	vld.idx.msk [tilespmem:v12+s16+$0x0], $0xffff;
	v51 =	vshll.u32 v45, $0x10;
	(erf) = vrcp.f32 v57;
	v63 =	vand.u32 $0xFFFF0000, v40  }
0xb6: {  	v27 =	vld.idx.msk [tilespmem:v27+s16+$0x0], $0xffff;
	v38 =	vshll.u32 v40, $0x10;
	v57 =	vadd.f32 v50, v46;
	v12 =	vmul.f32 $1.442695020e+00, v10  }
0xb7: {  	v5 =	vld.idx.msk [tilespmem:v5+s17+$0x0], $0xffff;
	v49 =	vand.u32 $0xFFFF0000, v43;
	v58 =	vshll.u32 v43, $0x10;
	(erf) = vrcp.f32 v44  }
0xb8: {  	v32 =	vmul.f32 $1.442695020e+00, v61;
	v45 =	vld.idx.msk [tilespmem:v11+s16+$0x0], $0xffff;
	v11 =	vadd.f32 v51, v58;
	v49 =	vadd.f32 v59, v49  }
0xb9: {  	v46 =	vld.idx.msk [tilespmem:v14+s3+$0x0], $0xffff;
	v34 =	vshll.u32 v33, $0x10;
	v10 =	vand.u32 $0xFFFF0000, v33;
	(erf) = vpow2.f32 v12  }
0xba: {  	s30 =	simm.s32 $0x7A80;
	v50 =	vld.idx.msk [tilespmem:v13+s3+$0x0], $0xffff;
	v34 =	vadd.f32 v62, v34;
	v43 =	vadd.f32 v30, v10;
	v30 =	vmax.f32 v41, v57;
	v47 =	vpop (erf)  }
0xbb: {  	v54 =	vld [tilespmem:s30+$0x70];
	v52 =	vshll.u32 v7, $0x10;
	v7 =	vand.u32 $0xFFFF0000, v7;
	v12 =	vand.u32 $0xFFFF0000, v9;
	v44 =	vpop (erf)  }
0xbc: {  	v9 =	vshll.u32 v9, $0x10;
	v61 =	vand.u32 $0xFFFF0000, v27;
	v62 =	vadd.f32 v7, v12;
	v12 =	vld [tilespmem:s30+$0x10];
	v10 =	vpop (erf)  }
0xbd: {  	v27 =	vshll.u32 v27, $0x10;
	v40 =	vsub.f32 v57, v30;
	v7 =	vld [tilespmem:s30+$0xFFFFFFB0];
	v39 =	vmul.f32 v10, v39  }
0xbe: {  	v56 =	vadd.s32 v2, v5;
	v30 =	vsub.f32 v41, v30;
	v38 =	vadd.f32 v27, v38;
	v27 =	vld [tilespmem:s30+$0x0]  }
0xbf: {  	v5 =	vand.u32 $0xFFFF0000, v42;
	v59 =	vshll.u32 v42, $0x10;
	v51 =	vld.idx.msk [tilespmem:v8+s16+$0x0], $0xffff;
	v40 =	vmul.f32 $1.442695020e+00, v40;
	[tilespmem:s29+$0xFFFFFFE0] =	vst v39  }
0xc0: {  	v42 =	vadd.f32 v52, v9;
	v60 =	vld.idx.msk [tilespmem:v35+s17+$0x0], $0xffff;
	v35 =	vmul.f32 v37, v28;
	v28 =	vmul.f32 $1.442695020e+00, v30  }
0xc1: {  	v53 =	vmax.f32 v49, v11;
	v9 =	vshll.u32 v46, $0x10;
	v8 =	vld [tilespmem:s30+$0xFFFFFF90];
	(erf) = vpow2.f32 v40  }
0xc2: {  	v24 =	vmul.f32 v47, v24;
	v52 =	vmax.f32 v62, v42;
	v10 =	vld [tilespmem:s30+$0xFFFFFFA0];
	(erf) = vpow2.f32 v28  }
0xc3: {  	v26 =	vmul.f32 v44, v26;
	v40 =	vadd.f32 v59, v9;
	[tilespmem:v56+s19+$0x0] =	vst.idx.add.f32.msk $0xffff, v25;
	v25 =	vpop (erf)  }
0xc4: {  	[tilespmem:s29+$0x30] =	vst v24;
	v9 =	vld [tilespmem:s30+$0xFFFFFFD0];
	vm1 =	vgt.f32 v39, $0.0e+00;
	v36 =	vmul.f32 v25, v36;
	v37 =	vadd.f32 v61, v63  }
0xc5: {  	[tilespmem:s29+$0x0] =	vst v26;
	v19 =	vld.idx.msk [tilespmem:v19+s17+$0x0], $0xffff;
	v63 =	vand.u32 $0xFFFF0000, v46;
	v61 =	vsub.f32 v62, v52;
	v46 =	vshll.u32 v51, $0x10  }
0xc6: {  	v57 =	vld.idx.msk [tilespmem:v4+s17+$0x0], $0xffff;
	v62 =	vpop (erf);
	v33 =	vadd.f32 v5, v63;
	v5 =	vand.u32 $0xFFFF0000, v51;
	(erf) = vpow2.f32 v32  }
0xc7: {  	v30 =	vld [tilespmem:s30+$0xFFFFFFF0];
	v29 =	vmul.f32 v62, v29;
	v28 =	vsub.f32 v11, v53;
	v62 =	vmax.f32 v37, v38  }
0xc8: {  	v51 =	vld [tilespmem:s30+$0x60];
	v63 =	vmax.f32 v33, v40;
	v37 =	vsub.f32 v37, v62;
	v38 =	vsub.f32 v38, v62  }
0xc9: {  	v59 =	vpop (erf);
	[tilespmem:s29+$0xFFFFFFC0] =	vst v35;
	v11 =	vld [tilespmem:s30+$0x50];
	v62 =	vsub.f32 v49, v53;
	v41 =	vadd.s32 v2, v60;
	v60 =	vand.u32 $0xFFFF0000, v50  }
0xca: {  	[tilespmem:s29+$0xFFFFFFF0] =	vst v36;
	v6 =	vld.idx.msk [tilespmem:v6+s17+$0x0], $0xffff;
	v19 =	vadd.s32 v2, v19;
	v55 =	vadd.f32 v5, v60;
	v60 =	vmul.f32 $1.442695020e+00, v61;
	v61 =	vpop (erf)  }
0xcb: {  	v23 =	vld.idx.msk [tilespmem:v23+s17+$0x0], $0xffff;
	v58 =	vsub.f32 v33, v63;
	v40 =	vsub.f32 v40, v63;
	v28 =	vmul.f32 $1.442695020e+00, v28;
	v44 =	vpop (erf)  }
0xcc: {  	v32 =	vld [tilespmem:s30+$0x30];
	v63 =	vsel vm0, $0x10001, v3;
	v38 =	vmul.f32 $1.442695020e+00, v38;
	v47 =	vadd.f32 v61, v44  }
0xcd: {  	[tilespmem:s29+$0xFFFFFFD0] =	vst v29;
	v53 =	vld [tilespmem:s30+$0x40];
	v50 =	vshll.u32 v50, $0x10;
	(erf) = vpow2.f32 v60;
	v60 =	vmul.f32 $1.442695020e+00, v37  }
0xce: {  	v31 =	vld.idx.msk [tilespmem:v31+s17+$0x0], $0xffff;
	v46 =	vadd.f32 v46, v50;
	v50 =	vmax.f32 v43, v34;
	(erf) = vrcp.f32 v47  }
0xcf: {  	[tilespmem:v56+s20+$0x0] =	vst.idx.add.s32.msk $0xffff, v63;
	v4 =	vsub.f32 v34, v50;
	v37 =	vadd.s32 v2, v6;
	v6 =	vpop (erf);
	(erf) = vpow2.f32 v60  }
0xd0: {  	v5 =	vld [tilespmem:s30+$0xFFFFFFE0];
	v40 =	vmul.f32 $1.442695020e+00, v40;
	v6 =	vadd.f32 v6, v59;
	(erf) = vpow2.f32 v38  }
0xd1: {  	v56 =	vsub.f32 v43, v50;
	v23 =	vadd.s32 v2, v23;
	v33 =	vld.idx.msk [tilespmem:v30+s3+$0x0], $0xffff;
	v63 =	vmul.f32 $1.442695020e+00, v4  }
0xd2: {  	[tilespmem:v41+s19+$0x0] =	vst.idx.add.f32.msk $0xffff, v39;
	v39 =	vmul.f32 $1.442695020e+00, v58;
	v61 =	vsel vm1, $0x10001, v3;
	(erf) = vrcp.f32 v6  }
0xd3: {  	v31 =	vadd.s32 v2, v31;
	[tilespmem:v41+s20+$0x0] =	vst.idx.add.s32.msk $0xffff, v61;
	v41 =	vmul.f32 $1.442695020e+00, v56;
	(erf) = vpow2.f32 v28  }
0xd4: {  	[tilespmem:v19+s19+$0x0] =	vst.idx.add.f32.msk $0xffff, v24;
	v47 =	vmax.f32 v55, v46;
	v28 =	vmul.f32 $1.442695020e+00, v62;
	(erf) = vpow2.f32 v63  }
0xd5: {  	v4 =	vld [tilespmem:s30+$0xFFFFFFC0];
	v60 =	vadd.s32 v2, v57;
	v61 =	vsub.f32 v46, v47;
	(erf) = vpow2.f32 v40  }
0xd6: {  	v51 =	vld.idx.msk [tilespmem:v51+s16+$0x0], $0xffff;
	vm1 =	vgt.f32 v29, $0.0e+00;
	v55 =	vsub.f32 v55, v47;
	v34 =	vpop (erf);
	(erf) = vpow2.f32 v39  }
0xd7: {  	[tilespmem:v23+s19+$0x0] =	vst.idx.add.f32.msk $0xffff, v36;
	v47 =	vsub.f32 v42, v52;
	v25 =	vmul.f32 $1.442695020e+00, v61;
	(erf) = vpow2.f32 v41;
	v63 =	vpop (erf)  }
0xd8: {  	[tilespmem:v31+s19+$0x0] =	vst.idx.add.f32.msk $0xffff, v29;
	v29 =	vsel vm1, $0x10001, v3;
	v58 =	vmul.f32 $1.442695020e+00, v55;
	(erf) = vpow2.f32 v28;
	v28 =	vpop (erf)  }
0xd9: {  	vm0 =	vgt.f32 v26, $0.0e+00;
	[tilespmem:v31+s20+$0x0] =	vst.idx.add.s32.msk $0xffff, v29;
	v55 =	vmul.f32 $1.442695020e+00, v47;
	v56 =	vpop (erf)  }
0xda: {  	[tilespmem:v60+s19+$0x0] =	vst.idx.add.f32.msk $0xffff, v26;
	v52 =	vmul.f32 v63, v44;
	(erf) = vpow2.f32 v58;
	v26 =	vadd.f32 v56, v28  }
0xdb: {  	v6 =	vld [tilespmem:s30+$0xFFFFFF80];
	(erf) = vpow2.f32 v25;
	v25 =	vpop (erf)  }
0xdc: {  	v29 =	vsel vm0, $0x10001, v3;
	v62 =	vld.idx.msk [tilespmem:v5+s3+$0x0], $0xffff;
	[tilespmem:s29+$0x10] =	vst v52;
	(erf) = vpow2.f32 v55;
	v57 =	vpop (erf)  }
0xdd: {  	vm2 =	vgt.f32 v24, $0.0e+00;
	v22 =	vld.idx.msk [tilespmem:v22+s17+$0x0], $0xffff;
	v58 =	vpop (erf)  }
0xde: {  	vm3 =	vgt.f32 v35, $0.0e+00;
	v50 =	vshll.u32 v45, $0x10;
	[tilespmem:v37+s19+$0x0] =	vst.idx.add.f32.msk $0xffff, v35;
	(erf) = vrcp.f32 v26;
	v26 =	vpop (erf)  }
0xdf: {  	vm1 =	vgt.f32 v36, $0.0e+00;
	v31 =	vsel vm2, $0x10001, v3;
	v46 =	vshll.u32 v48, $0x10;
	[tilespmem:v60+s20+$0x0] =	vst.idx.add.s32.msk $0xffff, v29;
	v29 =	vpop (erf)  }
0xe0: {  	[tilespmem:v19+s20+$0x0] =	vst.idx.add.s32.msk $0xffff, v31;
	v31 =	vand.u32 $0xFFFF0000, v51;
	v61 =	vsel vm3, $0x10001, v3;
	v47 =	vand.u32 $0xFFFF0000, v45;
	v24 =	vpop (erf)  }
0xe1: {  	v38 =	vld.idx.msk [tilespmem:v54+s16+$0x0], $0xffff;
	v41 =	vand.u32 $0xFFFF0000, v48;
	v60 =	vshll.u32 v62, $0x10;
	v35 =	vadd.f32 v58, v24  }
0xe2: {  	p3 =	sgt.u32 s6, $0x18;
	v43 =	vld.idx.msk [tilespmem:v4+s3+$0x0], $0xffff;
	vm0 =	vgt.f32 v52, $0.0e+00;
	v44 =	vadd.f32 v26, v29;
	v42 =	vadd.s32 v2, v22;
	v26 =	vpop (erf)  }
.Ltmp3:
0xe3: {  	v45 =	vld.idx.msk [tilespmem:v53+s16+$0x0], $0xffff;
	v25 =	vmul.f32 v25, v59;
	v59 =	vand.u32 $0xFFFF0000, v62;
	v39 =	vpop (erf);
	(erf) = vrcp.f32 v35;
	(pc) =	sbr.rel @!p3 .LBB2_8-.Ltmp3, $4  }
0xe4: {  	s31 =	simm.s32 $0xC8C0;
	[tilespmem:v37+s20+$0x0] =	vst.idx.add.s32.msk $0xffff, v61;
	v62 =	vshll.u32 v51, $0x10;
	v55 =	vadd.f32 v31, v59;
	v22 =	vadd.f32 v57, v26;
	v19 =	vpop (erf)  }
0xe5: {  	v40 =	vld.idx.msk [tilespmem:v6+s3+$0x0], $0xffff;
	v54 =	vadd.f32 v62, v60;
	v31 =	vsel vm1, $0x10001, v3;
	[tilespmem:s31+$0x20] =	vst v25;
	v19 =	vadd.f32 v19, v39;
	v63 =	vpop (erf)  }
0xe6: {  	s2 =	simm.s32 $0x18;
	v48 =	vsel vm0, $0x10001, v3;
	[tilespmem:v23+s20+$0x0] =	vst.idx.add.s32.msk $0xffff, v31;
	(erf) = vrcp.f32 v22;
	v57 =	vadd.f32 v63, v34  }
0xe7: {  	p2 =	por $0x1, $0x1;
	s1 =	simm.s32 $0x7A80;
	s0 =	simm.s32 $0xC8C0;
	vm0 =	vgt.f32 v25, $0.0e+00;
	v56 =	vmax.f32 v55, v54;
	v37 =	vpop (erf);
	[tilespmem:v42+s19+$0x0] =	vst.idx.add.f32.msk $0xffff, v52;
	(erf) = vrcp.f32 v19  }
.LBB2_9:
0xe8: {  	s2 =	sadd.s32 $0x8, s2;
	v19 =	vsub.f32 v55, v56;
	v22 =	vand.u32 $0xFFFF0000, v38;
	s1 =	sadd.s32 $0x100, s1;
	s31 =	sadd.s32 $0x80, s31;
	(erf) = vrcp.f32 v57;
	[tilespmem:v42+s20+$0x0] =	vst.idx.add.s32.msk $0xffff, v48  }
0xe9: {  	v31 =	vsub.f32 v54, v56;
	v35 =	vshll.u32 v38, $0x10;
	p3 =	slt.u32 s2, s6;
	v23 =	vld.idx.msk [tilespmem:v32+s16+$0x0], $0xffff;
	v32 =	vshll.u32 v33, $0x10  }
0xea: {  	v33 =	vand.u32 $0xFFFF0000, v33;
	v36 =	vld [tilespmem:s30+$0x20];
	v38 =	vmul.f32 $1.442695020e+00, v19;
	v32 =	vadd.f32 v35, v32;
	s30 =	smov.u32 s1  }
0xeb: {  	v46 =	vadd.f32 v50, v46;
	v35 =	vand.u32 $0xFFFF0000, v40;
	v40 =	vshll.u32 v40, $0x10;
	v42 =	vld.idx.msk [tilespmem:v7+s3+$0x0], $0xffff  }
0xec: {  	v48 =	vand.u32 $0xFFFF0000, v43;
	v43 =	vshll.u32 v43, $0x10;
	v41 =	vadd.f32 v47, v41;
	v19 =	vld.idx.msk [tilespmem:v9+s3+$0x0], $0xffff;
	v47 =	vpop (erf)  }
0xed: {  	v49 =	vand.u32 $0xFFFF0000, v45;
	v45 =	vshll.u32 v45, $0x10;
	v12 =	vld.idx.msk [tilespmem:v12+s16+$0x0], $0xffff;
	(erf) = vrcp.f32 v44  }
0xee: {  	v43 =	vadd.f32 v45, v43;
	v33 =	vadd.f32 v22, v33;
	v44 =	vmax.f32 v41, v46;
	v27 =	vld.idx.msk [tilespmem:v27+s16+$0x0], $0xffff  }
0xef: {  	v48 =	vadd.f32 v49, v48;
	v49 =	vmul.f32 $1.442695020e+00, v31;
	v50 =	vshll.u32 v23, $0x10;
	v45 =	vld.idx.msk [tilespmem:v8+s3+$0x0], $0xffff;
	v51 =	vpop (erf)  }
0xf0: {  	v23 =	vand.u32 $0xFFFF0000, v23;
	(erf) = vpow2.f32 v38;
	v52 =	vld.idx.msk [tilespmem:v15+s17+$0x0], $0xffff;
	v53 =	vpop (erf);
	v15 =	vmov v5  }
0xf1: {  	v54 =	vmax.f32 v48, v43;
	v5 =	vand.u32 $0xFFFF0000, v42;
	v22 =	vld.idx.msk [tilespmem:v11+s16+$0x0], $0xffff;
	v11 =	vsub.f32 v46, v44;
	v31 =	vpop (erf)  }
0xf2: {  	v38 =	vsub.f32 v48, v54;
	v48 =	vmul.f32 v53, v39;
	v46 =	vld.idx.msk [tilespmem:v36+s16+$0x0], $0xffff;
	v36 =	vsub.f32 v41, v44  }
0xf3: {  	v39 =	vshll.u32 v42, $0x10;
	v42 =	vmax.f32 v33, v32;
	v41 =	vld.idx.msk [tilespmem:v10+s3+$0x0], $0xffff;
	v11 =	vmul.f32 $1.442695020e+00, v11  }
0xf4: {  	v5 =	vadd.f32 v23, v5;
	v53 =	vand.u32 $0xFFFF0000, v27;
	v44 =	vld [tilespmem:s1+$0xFFFFFFA0];
	v36 =	vmul.f32 $1.442695020e+00, v36  }
0xf5: {  	v28 =	vmul.f32 v37, v28;
	v56 =	vand.u32 $0xFFFF0000, v12;
	v53 =	vadd.f32 v53, v35;
	v55 =	vld [tilespmem:s1+$0xFFFFFF90];
	[tilespmem:s0+$0xFFFFFFE0] =	vst v48  }
0xf6: {  	v50 =	vadd.f32 v50, v39;
	v37 =	vand.u32 $0xFFFF0000, v45;
	v35 =	vshll.u32 v12, $0x10;
	v57 =	vld.idx.msk [tilespmem:v13+s17+$0x0], $0xffff;
	v58 =	vpop (erf)  }
0xf7: {  	v43 =	vsub.f32 v43, v54;
	v45 =	vshll.u32 v45, $0x10;
	v13 =	vmovc v10;
	v12 =	vld [tilespmem:s1+$0x10];
	[tilespmem:s0+$0xFFFFFFC0] =	vst v28;
	(erf) = vpow2.f32 v11  }
0xf8: {  	v59 =	vmax.f32 v5, v50;
	v52 =	vadd.s32 v2, v52;
	v54 =	vshll.u32 v46, $0x10;
	v39 =	vld [tilespmem:s1+$0x70]  }
0xf9: {  	v43 =	vmul.f32 $1.442695020e+00, v43;
	v45 =	vadd.f32 v35, v45;
	v23 =	vld [tilespmem:s1+$0xFFFFFFB0];
	v35 =	vpop (erf);
	(erf) = vpow2.f32 v36  }
0xfa: {  	v11 =	vand.u32 $0xFFFF0000, v41;
	v41 =	vshll.u32 v41, $0x10;
	v36 =	vmul.f32 v58, v29;
	v10 =	vmovc v44;
	v60 =	vld.idx.msk [tilespmem:v20+s17+$0x0], $0xffff;
	v20 =	vmovc v6  }
0xfb: {  	v37 =	vadd.f32 v56, v37;
	v44 =	vand.u32 $0xFFFF0000, v46;
	v46 =	vsub.f32 v5, v59;
	v6 =	vld [tilespmem:s1+$0xFFFFFFF0]  }
0xfc: {  	v56 =	vsub.f32 v33, v42;
	v44 =	vadd.f32 v44, v11;
	v57 =	vadd.s32 v2, v57;
	v29 =	vld [tilespmem:s1+$0xFFFFFFD0];
	[tilespmem:s0+$0xFFFFFFD0] =	vst v36  }
0xfd: {  	v5 =	vshll.u32 v27, $0x10;
	v27 =	vmax.f32 v37, v45;
	(erf) = vpow2.f32 v49;
	[tilespmem:v52+s19+$0x0] =	vst.idx.add.f32.msk $0xffff, v25  }
0xfe: {  	vm3 =	vgt.f32 v48, $0.0e+00;
	v33 =	vsub.f32 v37, v27;
	v25 =	vadd.f32 v5, v40;
	v11 =	vld [tilespmem:s1+$0x50]  }
0xff: {  	v42 =	vsub.f32 v32, v42;
	v40 =	vsub.f32 v45, v27;
	v27 =	vmul.f32 $1.442695020e+00, v46;
	v5 =	vld [tilespmem:s1+$0xFFFFFFE0]  }
0x100: {  	v24 =	vmul.f32 v47, v24;
	v45 =	vmul.f32 $1.442695020e+00, v33;
	v46 =	vsub.f32 v50, v59;
	v32 =	vld [tilespmem:s1+$0x30];
	v47 =	vpop (erf)  }
0x101: {  	v41 =	vadd.f32 v54, v41;
	(erf) = vpow2.f32 v27;
	[tilespmem:v57+s19+$0x0] =	vst.idx.add.f32.msk $0xffff, v48;
	v48 =	vsel vm0, $0x10001, v3  }
0x102: {  	v26 =	vmul.f32 v51, v26;
	v49 =	vmax.f32 v53, v25;
	v37 =	vadd.s32 v2, v60;
	v27 =	vld [tilespmem:s1+$0x0];
	v50 =	vpop (erf)  }
0x103: {  	v40 =	vmul.f32 $1.442695020e+00, v40;
	v51 =	vsub.f32 v53, v49;
	v53 =	vmax.f32 v44, v41;
	v33 =	vld.idx.msk [tilespmem:v6+s3+$0x0], $0xffff  }
0x104: {  	v42 =	vmul.f32 $1.442695020e+00, v42;
	v44 =	vsub.f32 v44, v53;
	v47 =	vadd.f32 v47, v50;
	v54 =	vld.idx.msk [tilespmem:v14+s17+$0x0], $0xffff;
	[tilespmem:s0+$0x0] =	vst v26  }
0x105: {  	v25 =	vsub.f32 v25, v49;
	v41 =	vsub.f32 v41, v53;
	v51 =	vmul.f32 $1.442695020e+00, v51;
	v14 =	vmovc v8;
	v49 =	vld.idx.msk [tilespmem:v21+s17+$0x0], $0xffff  }
0x106: {  	vm2 =	vgt.f32 v24, $0.0e+00;
	v46 =	vmul.f32 $1.442695020e+00, v46;
	v53 =	vld [tilespmem:s1+$0x60];
	v8 =	vpop (erf);
	[tilespmem:s0+$0x30] =	vst v24;
	(erf) = vrcp.f32 v47  }
0x107: {  	vm1 =	vgt.f32 v26, $0.0e+00;
	v58 =	vmul.f32 $1.442695020e+00, v25;
	v25 =	vadd.f32 v8, v35;
	[tilespmem:v52+s20+$0x0] =	vst.idx.add.s32.msk $0xffff, v48;
	v8 =	vmovc v55  }
0x108: {  	v44 =	vmul.f32 $1.442695020e+00, v44;
	v47 =	vsel vm3, $0x10001, v3;
	(erf) = vpow2.f32 v51;
	v48 =	vld.idx.msk [tilespmem:v17+s17+$0x0], $0xffff;
	v17 =	vmovc v30;
	v30 =	vmovc v6  }
0x109: {  	vm5 =	vgt.f32 v36, $0.0e+00;
	v41 =	vmul.f32 $1.442695020e+00, v41;
	v21 =	vmovc v4;
	(erf) = vpow2.f32 v58;
	[tilespmem:v57+s20+$0x0] =	vst.idx.add.s32.msk $0xffff, v47  }
0x10a: {  	v47 =	vmul.f32 $1.442695020e+00, v38;
	v51 =	vadd.s32 v2, v54;
	v4 =	vld [tilespmem:s1+$0xFFFFFFC0];
	v38 =	vpop (erf);
	(erf) = vrcp.f32 v25  }
0x10b: {  	v31 =	vmul.f32 v31, v34;
	v6 =	vld [tilespmem:s1+$0xFFFFFF80];
	(erf) = vpow2.f32 v43;
	v43 =	vadd.s32 v2, v49;
	v34 =	vmovc v38  }
0x10c: {  	vm3 =	vgt.f32 v28, $0.0e+00;
	v52 =	vmul.f32 $1.442695020e+00, v56;
	v49 =	vld [tilespmem:s1+$0x40];
	(erf) = vpow2.f32 v42  }
0x10d: {  	vm0 =	vgt.f32 v31, $0.0e+00;
	v42 =	vld.idx.msk [tilespmem:v5+s3+$0x0], $0xffff;
	(erf) = vpow2.f32 v40;
	[tilespmem:s0+$0xFFFFFFF0] =	vst v31  }
0x10e: {  	(erf) = vpow2.f32 v45;
	[tilespmem:v37+s19+$0x0] =	vst.idx.add.f32.msk $0xffff, v28  }
0x10f: {  	v38 =	vld.idx.msk [tilespmem:v39+s16+$0x0], $0xffff;
	(erf) = vpow2.f32 v52;
	v25 =	vpop (erf)  }
0x110: {  	v52 =	vld.idx.msk [tilespmem:v53+s16+$0x0], $0xffff;
	(erf) = vpow2.f32 v47;
	v53 =	vmul.f32 v25, v50  }
0x111: {  	v45 =	vadd.s32 v2, v48;
	v28 =	vpop (erf);
	(erf) = vpow2.f32 v44;
	[tilespmem:v43+s19+$0x0] =	vst.idx.add.f32.msk $0xffff, v26  }
0x112: {  	v25 =	vpop (erf);
	(erf) = vpow2.f32 v41;
	v26 =	vld.idx.msk [tilespmem:v16+s17+$0x0], $0xffff;
	[tilespmem:s0+$0x10] =	vst v53;
	vm4 =	vgt.f32 v53, $0.0e+00;
	v16 =	vmov v7;
	s0 =	smov.u32 s31  }
0x113: {  	v7 =	vmov v23;
	v39 =	vadd.f32 v25, v28;
	(erf) = vpow2.f32 v46;
	v25 =	vpop (erf);
	v46 =	vld.idx.msk [tilespmem:v18+s17+$0x0], $0xffff  }
0x114: {  	v40 =	vsel vm5, $0x10001, v3;
	v25 =	vmul.f32 v25, v35;
	v23 =	vpop (erf);
	[tilespmem:v51+s19+$0x0] =	vst.idx.add.f32.msk $0xffff, v36;
	v35 =	vsel vm2, $0x10001, v3  }
0x115: {  	v18 =	vmov v9;
	(erf) = vrcp.f32 v39;
	v36 =	vpop (erf);
	[tilespmem:v51+s20+$0x0] =	vst.idx.add.s32.msk $0xffff, v40;
	v39 =	vsel vm1, $0x10001, v3  }
0x116: {  	v9 =	vmov v29;
	v44 =	vpop (erf);
	[tilespmem:v43+s20+$0x0] =	vst.idx.add.s32.msk $0xffff, v39  }
0x117: {  	v41 =	vand.u32 $0xFFFF0000, v19;
	v29 =	vpop (erf);
	[tilespmem:v45+s19+$0x0] =	vst.idx.add.f32.msk $0xffff, v24  }
0x118: {  	v48 =	vand.u32 $0xFFFF0000, v42;
	v51 =	vshll.u32 v42, $0x10;
	v56 =	vadd.s32 v2, v26;
	v40 =	vld.idx.msk [tilespmem:v6+s3+$0x0], $0xffff;
	[tilespmem:s31+$0x20] =	vst v25;
	v24 =	vpop (erf)  }
0x119: {  	v44 =	vadd.f32 v44, v29;
	v42 =	vadd.s32 v2, v46;
	v43 =	vld.idx.msk [tilespmem:v4+s3+$0x0], $0xffff;
	v54 =	vadd.f32 v36, v24;
	v26 =	vpop (erf)  }
0x11a: {  	v46 =	vshll.u32 v19, $0x10;
	v19 =	vsel vm3, $0x10001, v3;
	v23 =	vadd.f32 v23, v26;
	v39 =	vpop (erf);
	[tilespmem:v45+s20+$0x0] =	vst.idx.add.s32.msk $0xffff, v35  }
.Ltmp4:
0x11b: {  	v47 =	vand.u32 $0xFFFF0000, v22;
	v50 =	vshll.u32 v22, $0x10;
	v22 =	vpop (erf);
	(erf) = vrcp.f32 v54;
	[tilespmem:v37+s20+$0x0] =	vst.idx.add.s32.msk $0xffff, v19;
	(pc) =	sbr.rel @p3 .LBB2_9-.Ltmp4, $4  }
0x11c: {  	v35 =	vshll.u32 v52, $0x10;
	v19 =	vand.u32 $0xFFFF0000, v52;
	v45 =	vld.idx.msk [tilespmem:v49+s16+$0x0], $0xffff;
	v22 =	vadd.f32 v22, v39;
	v36 =	vpop (erf)  }
0x11d: {  	v54 =	vadd.f32 v35, v51;
	v55 =	vadd.f32 v19, v48;
	v19 =	vsel vm0, $0x10001, v3;
	[tilespmem:v56+s19+$0x0] =	vst.idx.add.f32.msk $0xffff, v31  }
0x11e: {  	v48 =	vsel vm4, $0x10001, v3;
	v57 =	vadd.f32 v36, v34;
	v37 =	vpop (erf);
	(erf) = vrcp.f32 v23;
	[tilespmem:v56+s20+$0x0] =	vst.idx.add.s32.msk $0xffff, v19  }
0x11f: {  	vm0 =	vgt.f32 v25, $0.0e+00;
	v56 =	vmax.f32 v55, v54;
	(erf) = vrcp.f32 v22;
	[tilespmem:v42+s19+$0x0] =	vst.idx.add.f32.msk $0xffff, v53  }
0x120: {  	v53 =	vmovc v15;
	v35 =	vmovc v13;
	v51 =	vmov v20;
	v31 =	vmov v14;
	v52 =	vmov v21  }
0x121: {  	v49 =	vmovc v17;
	v19 =	vmovc v30;
	v36 =	vmov v34;
	v23 =	vmov v16;
	v22 =	vmov v18  }
.LBB2_11:
0x122: {  	v13 =	vsub.f32 v55, v56;
	(erf) = vrcp.f32 @p1 v57  }
0x123: {  	v15 =	vsub.f32 v54, v56;
	v16 =	vshll.u32 v33, $0x10;
	v17 =	vshll.u32 v38, $0x10  }
0x124: {  	v20 =	vand.u32 $0xFFFF0000, v33;
	v21 =	vadd.f32 @p1 v50, v46;
	v30 =	vadd.f32 @p1 v47, v41  }
0x125: {  	v50 =	vand.u32 $0xFFFF0000, v40;
	v33 =	vshll.u32 v40, $0x10;
	v34 =	vand.u32 $0xFFFF0000, v43  }
0x126: {  	v18 =	vld.idx.msk [tilespmem:v32+s16+$0x0], $0xffff;
	v54 =	vshll.u32 v43, $0x10;
	v56 =	vand.u32 $0xFFFF0000, v45;
	v40 =	vmax.f32 @p1 v30, v21  }
0x127: {  	v63 =	vld [tilespmem:s30+$0x20];
	v57 =	vshll.u32 v45, $0x10;
	v16 =	vadd.f32 v17, v16;
	v21 =	vsub.f32 @p1 v21, v40  }
0x128: {  	v14 =	vand.u32 $0xFFFF0000, v38;
	v55 =	vld.idx.msk [tilespmem:v7+s3+$0x0], $0xffff;
	v38 =	vadd.f32 v57, v54;
	v34 =	vadd.f32 v56, v34  }
0x129: {  	v27 =	vld.idx.msk [tilespmem:v27+s16+$0x0], $0xffff;
	v13 =	vmul.f32 $1.442695020e+00, v13;
	v30 =	vsub.f32 @p1 v30, v40;
	v21 =	vmul.f32 @p1 $1.442695020e+00, v21  }
0x12a: {  	v59 =	vld.idx.msk [tilespmem:v8+s3+$0x0], $0xffff;
	(erf) = vrcp.f32 @p1 v44;
	v14 =	vadd.f32 v14, v20;
	v15 =	vmul.f32 $1.442695020e+00, v15  }
0x12b: {  	v45 =	vmax.f32 v34, v38;
	(erf) = vpow2.f32 v13;
	v40 =	vpop @p1 (erf);
	v13 =	vmul.f32 @p1 $1.442695020e+00, v30  }
0x12c: {  	v12 =	vld.idx.msk [tilespmem:v12+s16+$0x0], $0xffff;
	v34 =	vsub.f32 v34, v45;
	v56 =	vsub.f32 v38, v45;
	v43 =	vpop @p1 (erf);
	(erf) = vpow2.f32 @p1 v21  }
0x12d: {  	v58 =	vshll.u32 v18, $0x10;
	v18 =	vand.u32 $0xFFFF0000, v18;
	v21 =	vpop @p1 (erf);
	(erf) = vpow2.f32 @p1 v13  }
0x12e: {  	v60 =	vand.u32 $0xFFFF0000, v55;
	v61 =	vshll.u32 v55, $0x10;
	v62 =	vand.u32 $0xFFFF0000, v27  }
0x12f: {  	v54 =	vand.u32 $0xFFFF0000, v59;
	v55 =	vshll.u32 v59, $0x10;
	v27 =	vshll.u32 v27, $0x10  }
0x130: {  	v18 =	vadd.f32 v18, v60;
	v20 =	vadd.f32 v58, v61;
	(erf) = vpow2.f32 v15  }
0x131: {  	v17 =	vadd.f32 v62, v50;
	v50 =	vand.u32 $0xFFFF0000, v12;
	v27 =	vadd.f32 v27, v33  }
0x132: {  	v12 =	vshll.u32 v12, $0x10;
	v30 =	vmul.f32 $1.442695020e+00, v56;
	v32 =	vld.idx.msk [tilespmem:v63+s16+$0x0], $0xffff;
	v58 =	vmax.f32 v18, v20;
	v46 =	vpop @p1 (erf)  }
0x133: {  	v12 =	vadd.f32 v12, v55;
	v63 =	vld.idx.msk [tilespmem:v10+s3+$0x0], $0xffff;
	v60 =	vmax.f32 v17, v27;
	v18 =	vsub.f32 v18, v58;
	v38 =	vpop @p1 (erf)  }
0x134: {  	v17 =	vsub.f32 v17, v60;
	v27 =	vsub.f32 v27, v60;
	v21 =	vmul.f32 @p1 v21, v39;
	v13 =	vpop (erf)  }
0x135: {  	v39 =	vmax.f32 v14, v16;
	v15 =	vadd.f32 v50, v54;
	v18 =	vmul.f32 $1.442695020e+00, v18;
	v41 =	vpop @p1 (erf)  }
0x136: {  	v17 =	vmul.f32 $1.442695020e+00, v17;
	v27 =	vmul.f32 $1.442695020e+00, v27;
	v16 =	vsub.f32 v16, v39;
	v50 =	vpop @p1 (erf)  }
0x137: {  	v14 =	vsub.f32 v14, v39;
	v61 =	vmax.f32 v15, v12;
	v41 =	vadd.f32 @p1 v41, v50  }
0x138: {  	v57 =	vshll.u32 v32, $0x10;
	v59 =	vand.u32 $0xFFFF0000, v63;
	(erf) = vpow2.f32 v18  }
0x139: {  	v44 =	vshll.u32 v63, $0x10;
	v32 =	vand.u32 $0xFFFF0000, v32;
	v62 =	vpop (erf);
	(erf) = vrcp.f32 @p1 v41  }
0x13a: {  	v12 =	vsub.f32 v12, v61;
	v33 =	vadd.f32 v62, v13;
	(erf) = vpow2.f32 v17  }
0x13b: {  	v32 =	vadd.f32 v32, v59;
	v63 =	vadd.f32 v57, v44;
	(erf) = vpow2.f32 v27  }
0x13c: {  	v15 =	vsub.f32 v15, v61;
	v16 =	vmul.f32 $1.442695020e+00, v16;
	(erf) = vrcp.f32 v33  }
0x13d: {  	v12 =	vmul.f32 $1.442695020e+00, v12;
	(erf) = vpow2.f32 v30;
	v30 =	vmax.f32 v32, v63  }
0x13e: {  	v15 =	vmul.f32 $1.442695020e+00, v15;
	(erf) = vpow2.f32 v16;
	v17 =	vsub.f32 v63, v30  }
0x13f: {  	v14 =	vmul.f32 $1.442695020e+00, v14;
	v33 =	vsub.f32 v32, v30;
	(erf) = vpow2.f32 v12  }
0x140: {  	v39 =	vmul.f32 $1.442695020e+00, v34;
	(erf) = vpow2.f32 v15  }
0x141: {  	v12 =	vpop (erf);
	v16 =	vmul.f32 $1.442695020e+00, v33;
	(erf) = vpow2.f32 v14  }
0x142: {  	v41 =	vmul.f32 $1.442695020e+00, v17;
	v17 =	vpop @p1 (erf);
	(erf) = vpow2.f32 v39  }
0x143: {  	[tilespmem:v42+s20+$0x0] =	vst.idx.add.s32.msk @p2 $0xffff, v48;
	v18 =	vpop (erf);
	(erf) = vpow2.f32 v16  }
0x144: {  	v36 =	vmul.f32 @p1 v46, v36;
	v27 =	vld.idx.msk @p1 [tilespmem:v53+s17+$0x0], $0xffff;
	v44 =	vpop (erf);
	(erf) = vpow2.f32 v41  }
0x145: {  	v45 =	vld.idx.msk [tilespmem:v9+s3+$0x0], $0xffff;
	[tilespmem:s0+$0xFFFFFFE0] =	vst @p1 v21;
	v48 =	vpop (erf)  }
0x146: {  	v20 =	vsub.f32 v20, v58;
	[tilespmem:s0+$0xFFFFFFF0] =	vst @p1 v36;
	v15 =	vld.idx.msk @p1 [tilespmem:v35+s17+$0x0], $0xffff;
	v53 =	vpop (erf)  }
0x147: {  	v29 =	vmul.f32 @p1 v38, v29;
	v23 =	vld.idx.msk @p1 [tilespmem:v23+s17+$0x0], $0xffff;
	v54 =	vpop (erf)  }
0x148: {  	v20 =	vmul.f32 $1.442695020e+00, v20;
	v55 =	vpop (erf)  }
0x149: {  	v11 =	vld.idx.msk [tilespmem:v11+s16+$0x0], $0xffff;
	v26 =	vmul.f32 @p1 v43, v26;
	[tilespmem:s0+$0xFFFFFFD0] =	vst @p1 v29;
	v27 =	vadd.s32 @p1 v2, v27;
	v56 =	vpop (erf)  }
0x14a: {  	v24 =	vmul.f32 @p1 v40, v24;
	vm1 =	vgt.f32 @p1 v21, $0.0e+00;
	v31 =	vld.idx.msk @p1 [tilespmem:v31+s17+$0x0], $0xffff;
	(erf) = vpow2.f32 v20;
	v57 =	vpop (erf)  }
0x14b: {  	[tilespmem:s0+$0x0] =	vst @p1 v26;
	v16 =	vmul.f32 @p1 v37, v28;
	v15 =	vadd.s32 @p1 v2, v15;
	v58 =	vadd.f32 v44, v18;
	v59 =	vpop (erf)  }
0x14c: {  	[tilespmem:s0+$0x30] =	vst @p1 v24;
	v23 =	vadd.s32 @p1 v2, v23;
	v63 =	vand.u32 $0xFFFF0000, v45;
	v37 =	vld.idx.msk @p1 [tilespmem:v52+s17+$0x0], $0xffff;
	v34 =	vadd.f32 v54, v57;
	v60 =	vpop (erf)  }
0x14d: {  	v14 =	vshll.u32 v45, $0x10;
	v41 =	vld.idx.msk @p1 [tilespmem:v49+s17+$0x0], $0xffff;
	[tilespmem:s0+$0xFFFFFFC0] =	vst @p1 v16;
	(erf) = vrcp.f32 v58;
	v61 =	vadd.f32 v53, v59;
	v62 =	vpop (erf)  }
0x14e: {  	v39 =	vsel @p1 vm1, $0x10001, v3;
	[tilespmem:v27+s19+$0x0] =	vst.idx.add.f32.msk @p1 $0xffff, v25;
	(erf) = vrcp.f32 v34;
	v32 =	vadd.f32 v62, v60  }
0x14f: {  	v25 =	vadd.s32 @p1 v2, v31;
	v33 =	vld.idx.msk @p1 [tilespmem:v51+s17+$0x0], $0xffff;
	v13 =	vmul.f32 v48, v13;
	(erf) = vrcp.f32 v61  }
0x150: {  	[tilespmem:v15+s19+$0x0] =	vst.idx.add.f32.msk @p1 $0xffff, v21;
	v34 =	vand.u32 $0xFFFF0000, v11;
	v11 =	vshll.u32 v11, $0x10;
	(erf) = vrcp.f32 v32  }
0x151: {  	[tilespmem:v15+s20+$0x0] =	vst.idx.add.s32.msk @p1 $0xffff, v39;
	v11 =	vadd.f32 v11, v14;
	v39 =	vadd.f32 v34, v63  }
0x152: {  	[tilespmem:v23+s19+$0x0] =	vst.idx.add.f32.msk @p1 $0xffff, v36;
	v37 =	vadd.s32 @p1 v2, v37;
	v21 =	vsel @p1 vm0, $0x10001, v3;
	v43 =	vadd.f32 v55, v56  }
0x153: {  	v15 =	vmul.f32 @p1 v17, v50;
	v17 =	vadd.s32 @p1 v2, v41;
	v41 =	vpop (erf);
	v42 =	vmax.f32 v39, v11  }
0x154: {  	vm1 =	vgt.f32 @p1 v29, $0.0e+00;
	[tilespmem:v27+s20+$0x0] =	vst.idx.add.s32.msk @p1 $0xffff, v21;
	v21 =	vadd.f32 v41, v12;
	v11 =	vsub.f32 v11, v42  }
0x155: {  	[tilespmem:v25+s19+$0x0] =	vst.idx.add.f32.msk @p1 $0xffff, v29;
	v33 =	vadd.s32 @p1 v2, v33;
	v27 =	vsel @p1 vm1, $0x10001, v3;
	v14 =	vsub.f32 v39, v42  }
0x156: {  	[tilespmem:v25+s20+$0x0] =	vst.idx.add.s32.msk @p1 $0xffff, v27;
	v44 =	vpop (erf);
	(erf) = vrcp.f32 v21;
	v11 =	vmul.f32 $1.442695020e+00, v11  }
0x157: {  	[tilespmem:s0+$0x10] =	vst @p1 v15;
	s0 =	sadd.s32 @p1 $0x80, s31;
	v14 =	vmul.f32 $1.442695020e+00, v14;
	v45 =	vpop (erf);
	(erf) = vrcp.f32 v43  }
0x158: {  	[tilespmem:v37+s19+$0x0] =	vst.idx.add.f32.msk @p1 $0xffff, v26;
	s29 =	smov.u32 @p1 s0;
	v46 =	vpop (erf);
	(erf) = vpow2.f32 v11  }
0x159: {  	v22 =	vld.idx.msk @p1 [tilespmem:v22+s17+$0x0], $0xffff;
	[tilespmem:s29+$0x20] =	vst v13;
	v47 =	vpop (erf);
	(erf) = vpow2.f32 v14  }
0x15a: {  	[tilespmem:v33+s19+$0x0] =	vst.idx.add.f32.msk @p1 $0xffff, v16  }
0x15b: {  	vm0 =	vgt.f32 @p1 v26, $0.0e+00;
	v5 =	vld.idx.msk [tilespmem:v5+s17+$0x0], $0xffff  }
0x15c: {  	[tilespmem:v17+s19+$0x0] =	vst.idx.add.f32.msk @p1 $0xffff, v24;
	v21 =	vsel @p1 vm0, $0x10001, v3;
	vm0 =	vgt.f32 @p1 v24, $0.0e+00  }
0x15d: {  	[tilespmem:v37+s20+$0x0] =	vst.idx.add.s32.msk @p1 $0xffff, v21;
	v18 =	vmul.f32 v44, v18;
	v14 =	vsel @p1 vm0, $0x10001, v3  }
0x15e: {  	vm0 =	vgt.f32 @p1 v16, $0.0e+00;
	[tilespmem:v17+s20+$0x0] =	vst.idx.add.s32.msk @p1 $0xffff, v14;
	v14 =	vadd.s32 @p1 v2, v22  }
0x15f: {  	[tilespmem:s29+$0xFFFFFFC0] =	vst v18;
	v11 =	vmul.f32 v47, v60;
	v16 =	vsel @p1 vm0, $0x10001, v3;
	v49 =	vpop (erf)  }
0x160: {  	v5 =	vadd.s32 v2, v5;
	[tilespmem:v33+s20+$0x0] =	vst.idx.add.s32.msk @p1 $0xffff, v16;
	v50 =	vpop (erf)  }
0x161: {  	v6 =	vld.idx.msk [tilespmem:v6+s17+$0x0], $0xffff;
	[tilespmem:s29+$0xFFFFFFE0] =	vst v11;
	v51 =	vpop (erf)  }
0x162: {  	v55 =	vmul.f32 v45, v57;
	v48 =	vld.idx.msk [tilespmem:v10+s17+$0x0], $0xffff;
	v52 =	vpop (erf)  }
0x163: {  	v16 =	vpsel p1, v14, v0;
	[tilespmem:v14+s19+$0x0] =	vst.idx.add.f32.msk @p1 $0xffff, v15;
	v14 =	vadd.f32 v51, v52  }
0x164: {  	v53 =	vmul.f32 v46, v59;
	[tilespmem:s29+$0x30] =	vst v55  }
0x165: {  	vm8 =	vgt.f32 v13, $0.0e+00;
	vm0 =	vgt.f32 @p1 v36, $0.0e+00;
	[tilespmem:v5+s19+$0x0] =	vst.idx.add.f32.msk $0xffff, v13;
	(erf) = vrcp.f32 v14  }
0x166: {  	[tilespmem:s29+$0x0] =	vst v53;
	v13 =	vsel vm8, $0x10001, v3;
	v57 =	vld.idx.msk [tilespmem:v19+s17+$0x0], $0xffff;
	v17 =	vsel @p1 vm0, $0x10001, v3  }
0x167: {  	vm0 =	vgt.f32 @p1 v15, $0.0e+00;
	[tilespmem:v5+s20+$0x0] =	vst.idx.add.s32.msk $0xffff, v13;
	v6 =	vadd.s32 v2, v6;
	v12 =	vmul.f32 v49, v12  }
0x168: {  	[tilespmem:v23+s20+$0x0] =	vst.idx.add.s32.msk @p1 $0xffff, v17;
	v23 =	vsel @p1 vm0, $0x10001, v3;
	v10 =	vadd.s32 v2, v48  }
0x169: {  	v4 =	vld.idx.msk [tilespmem:v4+s17+$0x0], $0xffff;
	v15 =	vpsel p1, v23, v0;
	[tilespmem:s29+$0xFFFFFFF0] =	vst v12  }
0x16a: {  	vm9 =	vgt.f32 v11, $0.0e+00;
	[tilespmem:v16+s20+$0x0] =	vst.idx.add.s32.msk @p1 $0xffff, v15  }
0x16b: {  	v5 =	vsel vm9, $0x10001, v3;
	v7 =	vld.idx.msk [tilespmem:v7+s17+$0x0], $0xffff  }
0x16c: {  	[tilespmem:v6+s19+$0x0] =	vst.idx.add.f32.msk $0xffff, v18  }
0x16d: {  	v54 =	vmul.f32 v50, v56;
	[tilespmem:v10+s19+$0x0] =	vst.idx.add.f32.msk $0xffff, v11  }
0x16e: {  	[tilespmem:v10+s20+$0x0] =	vst.idx.add.s32.msk $0xffff, v5;
	v5 =	vpop (erf)  }
0x16f: {  	v58 =	vadd.s32 v2, v57;
	[tilespmem:s29+$0xFFFFFFD0] =	vst v54;
	v5 =	vmul.f32 v5, v52  }
0x170: {  	v4 =	vadd.s32 v2, v4;
	v56 =	vld.idx.msk [tilespmem:v8+s17+$0x0], $0xffff  }
0x171: {  	vm13 =	vgt.f32 v18, $0.0e+00;
	[tilespmem:s29+$0x10] =	vst v5  }
0x172: {  	v63 =	vsel vm13, $0x10001, v3;
	v59 =	vld.idx.msk [tilespmem:v9+s17+$0x0], $0xffff  }
0x173: {  	[tilespmem:v6+s20+$0x0] =	vst.idx.add.s32.msk $0xffff, v63;
	v7 =	vadd.s32 v2, v7  }
0x174: {  	vm11 =	vgt.f32 v53, $0.0e+00;
	[tilespmem:v58+s19+$0x0] =	vst.idx.add.f32.msk $0xffff, v55  }
0x175: {  	vm12 =	vgt.f32 v55, $0.0e+00;
	v61 =	vsel vm11, $0x10001, v3;
	[tilespmem:v4+s19+$0x0] =	vst.idx.add.f32.msk $0xffff, v53;
	v8 =	vadd.s32 v2, v56  }
0x176: {  	[tilespmem:v4+s20+$0x0] =	vst.idx.add.s32.msk $0xffff, v61;
	v4 =	vsel vm12, $0x10001, v3  }
0x177: {  	vm14 =	vgt.f32 v12, $0.0e+00;
	[tilespmem:v58+s20+$0x0] =	vst.idx.add.s32.msk $0xffff, v4;
	v62 =	vadd.s32 v2, v59  }
0x178: {  	v4 =	vsel vm14, $0x10001, v3;
	[tilespmem:v7+s19+$0x0] =	vst.idx.add.f32.msk $0xffff, v12  }
0x179: {  	vm10 =	vgt.f32 v54, $0.0e+00;
	[tilespmem:v7+s20+$0x0] =	vst.idx.add.s32.msk $0xffff, v4  }
0x17a: {  	v60 =	vsel vm10, $0x10001, v3;
	[tilespmem:v8+s19+$0x0] =	vst.idx.add.f32.msk $0xffff, v54  }
0x17b: {  	[tilespmem:v8+s20+$0x0] =	vst.idx.add.s32.msk $0xffff, v60;
	vm15 =	vgt.f32 v5, $0.0e+00  }
0x17c: {  	v4 =	vsel vm15, $0x10001, v3;
	[tilespmem:v62+s19+$0x0] =	vst.idx.add.f32.msk $0xffff, v5  }
0x17d: {  	s1 =	simm.s32 @p0 $0xC800;
	s0 =	simm.s32 @p0 $0x0;
	[tilespmem:v62+s20+$0x0] =	vst.idx.add.s32.msk $0xffff, v4  }
0x17e: {  	[hbm4b:s11+s0] =	stream.linear.scatter @p0 [tilespmem:s1], [sflag:$0x2], $0xA00, $0x38;
	[tilespmem:$0x13600] =	vst v63  }
0x17f: {  	s1 =	simm.s32 @p0 $0x2  }
0x180: {  	_ =	swait.ge @p0 [sflag:s1], $0xA00  }
0x181: {  	[sflag:s1] =	ssyncset.done @p0 $0x0  }
0x182: {  	s2 =	simm.s32 @p0 $0x7680;
	[sflag:s1] =	ssyncadd.s32 @p0 $0xFFFFF600  }
0x183: {  	[tilespmem:s2], [sflag:$0x2] =	stream.linear.gather @p0 [hbm4b:s12+s0], $0x50, $0x38;
	[tilespmem:$0x13600] =	vst v63  }
0x184: {  	_ =	swait.ge @p0 [sflag:s1], $0x50  }
0x185: {  	s0 =	simm.s32 @!p0 $0x0;
	[sflag:s1] =	ssyncset.done @p0 $0x0  }
0x186: {  	s2 =	simm.s32 @!p0 $0x2;
	[sflag:s1] =	ssyncadd.s32 @p0 $0xFFFFFFB0;
	s1 =	simm.s32 @!p0 $0xC800  }
0x187: {  	[hbm4b:s9+s0] =	stream.linear.scatter @!p0 [tilespmem:s1], [sflag:$0x2], $0x2800, $0x38;
	[tilespmem:$0x13600] =	vst v63  }
0x188: {  	_ =	swait.ge @!p0 [sflag:s2], $0x2800  }
0x189: {  	[sflag:s2] =	ssyncset.done @!p0 $0x0  }
0x18a: {  	s1 =	simm.s32 @!p0 $0x7680;
	[sflag:s2] =	ssyncadd.s32 @!p0 $0xFFFFD800  }
0x18b: {  	[tilespmem:s1], [sflag:$0x2] =	stream.linear.gather @!p0 [hbm4b:s10+s0], $0x140, $0x38;
	[tilespmem:$0x13600] =	vst v63  }
0x18c: {  	_ =	swait.ge @!p0 [sflag:s2], $0x140  }
0x18d: {  	s1 =	simm.s32 @!p0 $0x14;
	[sflag:s2] =	ssyncset.done @!p0 $0x0  }
0x18e: {  	s1 =	simm.s32 @p0 $0x5;
	[sflag:s2] =	ssyncadd.s32 @!p0 $0xFFFFFEC0  }
0x18f: {  	p1 =	sne.s32 s1, $0x1;
	v4 =	vld [tilespmem:s15+$0x0]  }
.Ltmp5:
0x190: {  	_ = 	snop;
	(pc) =	sbr.rel @!p1 .LBB2_13-.Ltmp5, $3  }
0x191: {  	s0 =	simm.s32 $0x7680  }
0x192: {  	v5 =	vld [tilespmem:s0+$0x0];
	_ =	sdelay $0x1  }
0x193: {  	s1 =	sadd.s32 $0xFFFFFFFF, s1;
	s2 =	sadd.s32 $0x10, s15;
	v4 =	vadd.s32 v2, v4  }
.LBB2_12:
0x194: {  	v6 =	vld [tilespmem:s2+$0x0];
	p1 =	sne.s32 s1, $0x1  }
.Ltmp6:
0x195: {  	s1 =	sadd.s32 $0xFFFFFFFF, s1;
	(pc) =	sbr.rel @p1 .LBB2_12-.Ltmp6, $4  }
0x196: {  	s0 =	sadd.s32 $0x10, s0;
	v7 =	vmov v5  }
0x197: {  	v5 =	vld [tilespmem:s0+$0x0];
	vm0 =	vgt.f32 v7, $0.0e+00  }
0x198: {  	[tilespmem:v4+s21+$0x0] =	vst.idx.add.f32.msk $0xffff, v7;
	v7 =	vsel vm0, $0x10001, v3  }
0x199: {  	s2 =	sadd.s32 $0x10, s2;
	[tilespmem:v4+s22+$0x0] =	vst.idx.add.s32.msk $0xffff, v7;
	v4 =	vadd.s32 v2, v6  }
.LBB2_13:
0x19a: {  	_ =	sdelay $0x2  }
0x19b: {  	vm0 =	vgt.f32 v5, $0.0e+00  }
0x19c: {  	[tilespmem:v4+s21+$0x0] =	vst.idx.add.f32.msk $0xffff, v5;
	v5 =	vsel vm0, $0x10001, v3  }
0x19d: {  	s24 =	simm.s32 $0xF810;
	s0 =	simm.s32 $0x0;
	[tilespmem:v4+s22+$0x0] =	vst.idx.add.s32.msk $0xffff, v5  }
0x19e: {  	s29 =	sand.u32 $0xE0, s0;
	v4 =	vld [tilespmem:s24+$0xFFFFF7F0]  }
0x19f: {  	v5 =	vld [tilespmem:s29+$0xF100]  }
0x1a0: {  	v6 =	vld [tilespmem:s29+$0xF200]  }
0x1a1: {  	v7 =	vld [tilespmem:s29+$0xF300]  }
0x1a2: {  	v8 =	vld [tilespmem:s29+$0xF400]  }
0x1a3: {  	v9 =	vld [tilespmem:s29+$0xF500]  }
0x1a4: {  	v10 =	vld [tilespmem:s29+$0xF600]  }
0x1a5: {  	v11 =	vld [tilespmem:s29+$0xF700]  }
0x1a6: {  	v12 =	vld [tilespmem:s29+$0xF800]  }
0x1a7: {  	v13 =	vld [tilespmem:s29+$0xF900]  }
0x1a8: {  	v14 =	vld [tilespmem:s29+$0xFA00]  }
0x1a9: {  	v15 =	vld [tilespmem:s29+$0xFB00]  }
0x1aa: {  	v16 =	vld [tilespmem:s29+$0xFC00]  }
0x1ab: {  	v17 =	vld [tilespmem:s29+$0xFD00]  }
0x1ac: {  	v18 =	vld [tilespmem:s29+$0xFE00]  }
0x1ad: {  	v19 =	vld [tilespmem:s29+$0xFF00]  }
0x1ae: {  	v20 =	vld [tilespmem:s24+$0xFFFFF800]  }
0x1af: {  	v21 =	vld [tilespmem:s24+$0xFFFFF900]  }
0x1b0: {  	v22 =	vld [tilespmem:s24+$0xFFFFFA00]  }
0x1b1: {  	v4 =	vadd.f32 v5, v4;
	v5 =	vadd.f32 v7, v6;
	v6 =	vld [tilespmem:s24+$0xFFFFFB00]  }
0x1b2: {  	v7 =	vadd.f32 v9, v8;
	v8 =	vadd.f32 v11, v10;
	v9 =	vld [tilespmem:s24+$0xFFFFFC00]  }
0x1b3: {  	v10 =	vadd.f32 v13, v12;
	v11 =	vadd.f32 v15, v14;
	v12 =	vld [tilespmem:s24+$0xFFFFFD00]  }
0x1b4: {  	v13 =	vadd.f32 v17, v16;
	v14 =	vadd.f32 v19, v18;
	v15 =	vld [tilespmem:s24+$0xFFFFFE00]  }
0x1b5: {  	v4 =	vadd.f32 v5, v4;
	v5 =	vadd.f32 v8, v7;
	v7 =	vld [tilespmem:s24+$0xFFFFFF00]  }
0x1b6: {  	v8 =	vadd.f32 v11, v10;
	v10 =	vadd.f32 v14, v13;
	v11 =	vld [tilespmem:s24+$0x0]  }
0x1b7: {  	v13 =	vld [tilespmem:s24+$0x100]  }
0x1b8: {  	v14 =	vadd.f32 v5, v4;
	v8 =	vadd.f32 v10, v8;
	v4 =	vld [tilespmem:s24+$0x200]  }
0x1b9: {  	v10 =	vadd.f32 v21, v20;
	v5 =	vld [tilespmem:s24+$0x300];
	v63 =	vadd.f32 v6, v22  }
0x1ba: {  	v6 =	vld [tilespmem:s24+$0x400];
	v12 =	vadd.f32 v12, v9;
	v15 =	vadd.f32 v7, v15  }
0x1bb: {  	v14 =	vadd.f32 v8, v14;
	v8 =	vld [tilespmem:s24+$0x500]  }
0x1bc: {  	s30 =	simm.s32 $0x13010;
	s23 =	simm.s32 $0x0;
	s2 =	simm.s32 $0x10810;
	v9 =	vld [tilespmem:s24+$0x600];
	v7 =	vadd.f32 v63, v10;
	v12 =	vadd.f32 v15, v12  }
0x1bd: {  	s1 =	simm.s32 $0x13210;
	s31 =	simm.s32 $0xF830;
	v10 =	vadd.f32 v13, v11;
	v11 =	vld [tilespmem:s24+$0x700];
	s24 =	simm.s32 $0x20;
	[tilespmem:s30+$0xFFFFFFF0] =	vst v14  }
.LBB2_14:
0x1be: {  	v13 =	vld [tilespmem:s31+$0xFFFFF7F0];
	s25 =	sand.u32 $0xE0, s24;
	v4 =	vadd.f32 v5, v4;
	v5 =	vadd.f32 v12, v7  }
0x1bf: {  	v7 =	vld [tilespmem:s25+$0xF100]  }
0x1c0: {  	v12 =	vld [tilespmem:s25+$0xF200];
	v6 =	vadd.f32 v8, v6;
	v4 =	vadd.f32 v4, v10  }
0x1c1: {  	v8 =	vld [tilespmem:s25+$0xF300]  }
0x1c2: {  	v10 =	vld [tilespmem:s25+$0xF400];
	v9 =	vadd.f32 v11, v9  }
0x1c3: {  	v11 =	vld [tilespmem:s25+$0xF500]  }
0x1c4: {  	v14 =	vld [tilespmem:s25+$0xF600];
	v6 =	vadd.f32 v9, v6  }
0x1c5: {  	v9 =	vld [tilespmem:s25+$0xF700]  }
0x1c6: {  	v15 =	vld [tilespmem:s25+$0xF800];
	v4 =	vadd.f32 v6, v4  }
0x1c7: {  	v6 =	vld [tilespmem:s25+$0xF900]  }
0x1c8: {  	v16 =	vld [tilespmem:s25+$0xFA00];
	v4 =	vadd.f32 v4, v5  }
0x1c9: {  	v5 =	vld [tilespmem:s25+$0xFB00]  }
0x1ca: {  	v17 =	vld [tilespmem:s25+$0xFC00];
	[tilespmem:s30+$0x0] =	vst v4  }
0x1cb: {  	v4 =	vld [tilespmem:s25+$0xFD00]  }
0x1cc: {  	s23 =	sadd.s32 $0x2, s23;
	v18 =	vld [tilespmem:s25+$0xFE00]  }
0x1cd: {  	p1 =	slt.u32 s23, $0xE;
	v19 =	vld [tilespmem:s25+$0xFF00]  }
0x1ce: {  	v20 =	vld [tilespmem:s31+$0xFFFFF800]  }
0x1cf: {  	v7 =	vadd.f32 v7, v13;
	v8 =	vadd.f32 v8, v12;
	v12 =	vld [tilespmem:s31+$0xFFFFF900]  }
0x1d0: {  	v10 =	vadd.f32 v11, v10;
	v9 =	vadd.f32 v9, v14;
	v11 =	vld [tilespmem:s31+$0xFFFFFA00]  }
0x1d1: {  	v6 =	vadd.f32 v6, v15;
	v5 =	vadd.f32 v5, v16;
	v13 =	vld [tilespmem:s31+$0xFFFFFB00]  }
0x1d2: {  	v4 =	vadd.f32 v4, v17;
	v14 =	vadd.f32 v19, v18;
	v15 =	vld [tilespmem:s31+$0xFFFFFC00]  }
0x1d3: {  	v7 =	vadd.f32 v8, v7;
	v8 =	vadd.f32 v9, v10;
	v9 =	vld [tilespmem:s31+$0xFFFFFD00]  }
0x1d4: {  	v5 =	vadd.f32 v5, v6;
	v4 =	vadd.f32 v14, v4;
	v10 =	vld [tilespmem:s31+$0xFFFFFE00]  }
0x1d5: {  	v6 =	vadd.f32 v12, v20;
	v14 =	vld [tilespmem:s31+$0xFFFFFF00]  }
0x1d6: {  	v7 =	vadd.f32 v8, v7;
	v4 =	vadd.f32 v4, v5;
	v12 =	vld [tilespmem:s31+$0x0]  }
0x1d7: {  	v8 =	vadd.f32 v13, v11;
	v16 =	vld [tilespmem:s31+$0x100]  }
0x1d8: {  	v11 =	vadd.f32 v4, v7;
	v4 =	vld [tilespmem:s31+$0x200];
	v13 =	vadd.f32 v9, v15  }
.Ltmp7:
0x1d9: {  	s30 =	sadd.s32 $0x20, s30;
	v7 =	vadd.f32 v8, v6;
	v5 =	vld [tilespmem:s31+$0x300];
	(pc) =	sbr.rel @p1 .LBB2_14-.Ltmp7, $4  }
0x1da: {  	[tilespmem:s30+$0xFFFFFFF0] =	vst v11;
	v6 =	vld [tilespmem:s31+$0x400];
	v11 =	vadd.f32 v14, v10  }
0x1db: {  	v8 =	vld [tilespmem:s31+$0x500]  }
0x1dc: {  	v9 =	vld [tilespmem:s31+$0x600];
	v10 =	vadd.f32 v16, v12;
	v12 =	vadd.f32 v11, v13  }
0x1dd: {  	s24 =	sadd.s32 $0x20, s24;
	v11 =	vld [tilespmem:s31+$0x700];
	s31 =	sadd.s32 $0x20, s31  }
0x1de: {  	_ =	sdelay $0x2  }
0x1df: {  	v4 =	vadd.f32 v5, v4  }
0x1e0: {  	v5 =	vadd.f32 v8, v6;
	v6 =	vadd.f32 v11, v9;
	_ =	sdelay $0x1  }
0x1e1: {  	v4 =	vadd.f32 v4, v10;
	v5 =	vadd.f32 v6, v5;
	_ =	sdelay $0x1  }
0x1e2: {  	v6 =	vadd.f32 v12, v7;
	v4 =	vadd.f32 v5, v4;
	_ =	sdelay $0x1  }
0x1e3: {  	v4 =	vadd.f32 v4, v6;
	_ =	sdelay $0x1  }
0x1e4: {  	[tilespmem:s30+$0x0] =	vst v4  }
0x1e5: {  	v4 =	vld [tilespmem:s2+$0xFFFFF800]  }
0x1e6: {  	v5 =	vld [tilespmem:s2+$0xFFFFF900]  }
0x1e7: {  	v6 =	vld [tilespmem:s2+$0xFFFFFA00]  }
0x1e8: {  	v7 =	vld [tilespmem:s2+$0xFFFFFB00]  }
0x1e9: {  	v8 =	vld [tilespmem:s2+$0xFFFFFC00]  }
0x1ea: {  	v9 =	vld [tilespmem:s2+$0xFFFFFD00]  }
0x1eb: {  	v10 =	vld [tilespmem:s2+$0xFFFFFE00]  }
0x1ec: {  	v11 =	vld [tilespmem:s2+$0xFFFFFF00]  }
0x1ed: {  	v58 =	vld [tilespmem:s2+$0x0]  }
0x1ee: {  	v13 =	vld [tilespmem:s2+$0x100]  }
0x1ef: {  	v14 =	vld [tilespmem:s2+$0x200]  }
0x1f0: {  	v15 =	vld [tilespmem:s2+$0x300]  }
0x1f1: {  	v59 =	vld [tilespmem:s29+$0x10300];
	v4 =	vadd.s32 v4, v5  }
0x1f2: {  	v60 =	vld [tilespmem:s29+$0x10400];
	v4 =	vadd.s32 v6, v4  }
0x1f3: {  	v61 =	vld [tilespmem:s29+$0x10500];
	v4 =	vadd.s32 v7, v4  }
0x1f4: {  	v5 =	vld [tilespmem:s2+$0x400];
	v4 =	vadd.s32 v8, v4  }
0x1f5: {  	v4 =	vadd.s32 v9, v4;
	v9 =	vld [tilespmem:s2+$0xFFFFF8F0]  }
0x1f6: {  	v4 =	vadd.s32 v10, v4;
	v10 =	vld [tilespmem:s2+$0xFFFFF7F0]  }
0x1f7: {  	v4 =	vadd.s32 v11, v4;
	v11 =	vld [tilespmem:s2+$0xFFFFF9F0]  }
0x1f8: {  	v6 =	vld [tilespmem:s2+$0x500];
	v4 =	vadd.s32 v58, v4  }
0x1f9: {  	v7 =	vld [tilespmem:s2+$0x600];
	v4 =	vadd.s32 v13, v4  }
0x1fa: {  	v8 =	vld [tilespmem:s2+$0x700];
	v4 =	vadd.s32 v14, v4  }
0x1fb: {  	v4 =	vadd.s32 v15, v4;
	v9 =	vadd.s32 v10, v9;
	v10 =	vld [tilespmem:s29+$0x10600]  }
0x1fc: {  	v4 =	vadd.s32 v5, v4;
	v5 =	vadd.s32 v11, v9;
	v9 =	vld [tilespmem:s29+$0x10700]  }
0x1fd: {  	v11 =	vld [tilespmem:s29+$0x10800];
	v4 =	vadd.s32 v6, v4;
	v5 =	vadd.s32 v59, v5  }
0x1fe: {  	v62 =	vld [tilespmem:s29+$0x10900];
	v4 =	vadd.s32 v7, v4;
	v5 =	vadd.s32 v60, v5  }
0x1ff: {  	v63 =	vld [tilespmem:s29+$0x10A00];
	v6 =	vadd.s32 v8, v4;
	v5 =	vadd.s32 v61, v5  }
0x200: {  	v4 =	vld [tilespmem:s29+$0x10B00];
	v7 =	vand.u32 $0xFFFF, v6;
	v8 =	vadd.s32 v10, v5  }
0x201: {  	v6 =	vshrl.u32 v6, $0x10;
	v5 =	vld [tilespmem:s29+$0x10C00];
	v7 =	vcvt.s32.f32 v7;
	v8 =	vadd.s32 v9, v8  }
0x202: {  	v9 =	vcvt.s32.f32 v6;
	v6 =	vld [tilespmem:s29+$0x10D00];
	v8 =	vadd.s32 v11, v8  }
0x203: {  	s31 =	simm.s32 $0x0;
	[tilespmem:s1+$0x0] =	vst v7;
	v7 =	vld [tilespmem:s29+$0x10E00];
	v10 =	vadd.s32 v62, v8  }
0x204: {  	s23 =	simm.s32 $0x10830;
	s30 =	simm.s32 $0x11810;
	s2 =	simm.s32 $0x13310;
	[tilespmem:s1+$0xFFFFFF00] =	vst v9;
	v8 =	vld [tilespmem:s29+$0x10F00];
	v9 =	vadd.s32 v63, v10  }
.LBB2_16:
0x205: {  	v10 =	vld [tilespmem:s23+$0xFFFFF800];
	v4 =	vadd.s32 v4, v9  }
0x206: {  	s31 =	sadd.s32 $0x2, s31;
	v9 =	vld [tilespmem:s23+$0xFFFFF900];
	v4 =	vadd.s32 v5, v4  }
0x207: {  	p1 =	slt.u32 s31, $0xE;
	v5 =	vld [tilespmem:s23+$0xFFFFFA00];
	v4 =	vadd.s32 v6, v4  }
0x208: {  	v6 =	vld [tilespmem:s23+$0xFFFFFB00];
	v4 =	vadd.s32 v7, v4  }
0x209: {  	v7 =	vld [tilespmem:s23+$0xFFFFFC00];
	v4 =	vadd.s32 v8, v4  }
0x20a: {  	v8 =	vld [tilespmem:s23+$0xFFFFFD00];
	v11 =	vshrl.u32 v4, $0x10;
	v4 =	vand.u32 $0xFFFF, v4  }
0x20b: {  	v12 =	vld [tilespmem:s23+$0xFFFFFE00];
	v9 =	vadd.s32 v10, v9;
	v10 =	vcvt.s32.f32 v11;
	v4 =	vcvt.s32.f32 v4  }
0x20c: {  	v11 =	vld [tilespmem:s23+$0xFFFFFF00];
	v5 =	vadd.s32 v5, v9  }
0x20d: {  	v9 =	vld [tilespmem:s23+$0x0];
	v5 =	vadd.s32 v6, v5;
	[tilespmem:s1+$0xFFFFFEF0] =	vst v10  }
0x20e: {  	v6 =	vld [tilespmem:s23+$0x100];
	v5 =	vadd.s32 v7, v5;
	[tilespmem:s1+$0xFFFFFFF0] =	vst v4  }
0x20f: {  	v4 =	vld [tilespmem:s23+$0x200];
	v5 =	vadd.s32 v8, v5  }
0x210: {  	v7 =	vld [tilespmem:s23+$0x300];
	v5 =	vadd.s32 v12, v5  }
0x211: {  	v8 =	vld [tilespmem:s23+$0x400];
	v5 =	vadd.s32 v11, v5  }
0x212: {  	v10 =	vld [tilespmem:s23+$0x500];
	v5 =	vadd.s32 v9, v5  }
0x213: {  	v9 =	vld [tilespmem:s23+$0x600];
	v5 =	vadd.s32 v6, v5  }
0x214: {  	v6 =	vld [tilespmem:s23+$0x700];
	v4 =	vadd.s32 v4, v5  }
0x215: {  	v5 =	vld [tilespmem:s23+$0xFFFFF8F0];
	v4 =	vadd.s32 v7, v4  }
0x216: {  	s0 =	sadd.s32 $0x20, s0;
	v7 =	vld [tilespmem:s23+$0xFFFFF7F0];
	v4 =	vadd.s32 v8, v4  }
0x217: {  	s24 =	sand.u32 $0xE0, s0;
	v8 =	vld [tilespmem:s23+$0xFFFFF9F0];
	v4 =	vadd.s32 v10, v4  }
0x218: {  	v10 =	vld [tilespmem:s24+$0x10300];
	v4 =	vadd.s32 v9, v4  }
0x219: {  	v9 =	vld [tilespmem:s24+$0x10400];
	v4 =	vadd.s32 v6, v4  }
0x21a: {  	v6 =	vld [tilespmem:s24+$0x10500];
	v11 =	vshrl.u32 v4, $0x10;
	v4 =	vand.u32 $0xFFFF, v4  }
0x21b: {  	v12 =	vld [tilespmem:s24+$0x10600];
	v5 =	vadd.s32 v7, v5;
	v7 =	vcvt.s32.f32 v11;
	v4 =	vcvt.s32.f32 v4  }
0x21c: {  	s1 =	sadd.s32 $0x20, s1;
	v11 =	vld [tilespmem:s24+$0x10700];
	v5 =	vadd.s32 v8, v5  }
0x21d: {  	s29 =	simm.s32 $0x0;
	v8 =	vld [tilespmem:s24+$0x10800];
	v5 =	vadd.s32 v10, v5;
	[tilespmem:s1+$0x0] =	vst v4  }
0x21e: {  	v10 =	vld [tilespmem:s24+$0x10900];
	v4 =	vadd.s32 v9, v5;
	[tilespmem:s1+$0xFFFFFF00] =	vst v7  }
0x21f: {  	v9 =	vld [tilespmem:s24+$0x10A00];
	v5 =	vadd.s32 v6, v4  }
.Ltmp8:
0x220: {  	v4 =	vld [tilespmem:s24+$0x10B00];
	v6 =	vadd.s32 v12, v5;
	(pc) =	sbr.rel @p1 .LBB2_16-.Ltmp8, $4  }
0x221: {  	v5 =	vld [tilespmem:s24+$0x10C00];
	v7 =	vadd.s32 v11, v6  }
0x222: {  	v6 =	vld [tilespmem:s24+$0x10D00];
	v8 =	vadd.s32 v8, v7  }
0x223: {  	v7 =	vld [tilespmem:s24+$0x10E00];
	v10 =	vadd.s32 v10, v8  }
0x224: {  	s23 =	sadd.s32 $0x20, s23;
	v8 =	vld [tilespmem:s24+$0x10F00];
	v9 =	vadd.s32 v9, v10  }
0x225: {  	v4 =	vadd.s32 v4, v9  }
0x226: {  	v4 =	vadd.s32 v5, v4  }
0x227: {  	v4 =	vadd.s32 v6, v4  }
0x228: {  	v4 =	vadd.s32 v7, v4  }
0x229: {  	v4 =	vadd.s32 v8, v4  }
0x22a: {  	v5 =	vshrl.u32 v4, $0x10  }
0x22b: {  	v4 =	vand.u32 $0xFFFF, v4;
	v5 =	vcvt.s32.f32 v5  }
0x22c: {  	v4 =	vcvt.s32.f32 v4  }
0x22d: {  	[tilespmem:s1+$0xFFFFFEF0] =	vst v5  }
0x22e: {  	[tilespmem:s1+$0xFFFFFFF0] =	vst v4  }
0x22f: {  	v4 =	vld [tilespmem:s30+$0xFFFFF7F0]  }
0x230: {  	s1 =	sand.u32 $0xE0, s29;
	v5 =	vld [tilespmem:s30+$0xFFFFFAF0]  }
0x231: {  	v6 =	vld [tilespmem:s1+$0x11100]  }
0x232: {  	v7 =	vld [tilespmem:s1+$0x11200]  }
0x233: {  	v8 =	vld [tilespmem:s1+$0x11400]  }
0x234: {  	v9 =	vld [tilespmem:s1+$0x11500]  }
0x235: {  	v10 =	vld [tilespmem:s1+$0x11600]  }
0x236: {  	v11 =	vld [tilespmem:s1+$0x11700]  }
0x237: {  	v12 =	vld [tilespmem:s1+$0x11800]  }
0x238: {  	v13 =	vld [tilespmem:s1+$0x11900]  }
0x239: {  	v14 =	vld [tilespmem:s1+$0x11A00]  }
0x23a: {  	v15 =	vld [tilespmem:s1+$0x11B00]  }
0x23b: {  	v16 =	vld [tilespmem:s1+$0x11C00]  }
0x23c: {  	v17 =	vld [tilespmem:s1+$0x11D00]  }
0x23d: {  	v18 =	vld [tilespmem:s1+$0x11E00]  }
0x23e: {  	v19 =	vld [tilespmem:s1+$0x11F00]  }
0x23f: {  	v20 =	vld [tilespmem:s30+$0xFFFFF800]  }
0x240: {  	v21 =	vld [tilespmem:s30+$0xFFFFF900]  }
0x241: {  	v22 =	vld [tilespmem:s30+$0xFFFFFA00]  }
0x242: {  	v4 =	vadd.f32 v6, v4;
	v5 =	vadd.f32 v5, v7;
	v7 =	vld [tilespmem:s30+$0xFFFFFB00]  }
0x243: {  	v6 =	vadd.f32 v9, v8;
	v8 =	vadd.f32 v11, v10;
	v9 =	vld [tilespmem:s30+$0xFFFFFC00]  }
0x244: {  	v10 =	vadd.f32 v13, v12;
	v11 =	vadd.f32 v15, v14;
	v12 =	vld [tilespmem:s30+$0xFFFFFD00]  }
0x245: {  	v13 =	vadd.f32 v17, v16;
	v14 =	vadd.f32 v19, v18;
	v15 =	vld [tilespmem:s30+$0xFFFFFE00]  }
0x246: {  	v4 =	vadd.f32 v5, v4;
	v5 =	vadd.f32 v8, v6;
	v8 =	vld [tilespmem:s30+$0xFFFFFF00]  }
0x247: {  	v6 =	vadd.f32 v11, v10;
	v11 =	vld [tilespmem:s30+$0x0]  }
0x248: {  	v10 =	vadd.f32 v14, v13;
	v13 =	vld [tilespmem:s30+$0x100]  }
0x249: {  	v14 =	vadd.f32 v21, v20;
	v5 =	vadd.f32 v5, v4;
	v4 =	vld [tilespmem:s30+$0x200]  }
0x24a: {  	v10 =	vadd.f32 v10, v6;
	v6 =	vld [tilespmem:s30+$0x300];
	v7 =	vadd.f32 v7, v22  }
0x24b: {  	v12 =	vadd.f32 v12, v9;
	v9 =	vld [tilespmem:s30+$0x500];
	v15 =	vadd.f32 v8, v15  }
0x24c: {  	v10 =	vadd.f32 v10, v5;
	v5 =	vld [tilespmem:s30+$0x400]  }
0x24d: {  	s23 =	simm.s32 $0x0;
	v7 =	vadd.f32 v7, v14;
	v8 =	vld [tilespmem:s30+$0x600];
	v12 =	vadd.f32 v15, v12  }
0x24e: {  	s31 =	simm.s32 $0x12810;
	s0 =	simm.s32 $0x13510;
	s24 =	simm.s32 $0x11830;
	[tilespmem:s2+$0xFFFFFFF0] =	vst v10;
	v10 =	vadd.f32 v13, v11;
	v11 =	vld [tilespmem:s30+$0x700]  }
.LBB2_18:
0x24f: {  	v13 =	vld [tilespmem:s24+$0xFFFFF7F0];
	v4 =	vadd.f32 v6, v4;
	v6 =	vadd.f32 v12, v7;
	s29 =	sadd.s32 $0x20, s29  }
0x250: {  	s25 =	sand.u32 $0xE0, s29;
	v7 =	vld [tilespmem:s24+$0xFFFFFAF0]  }
0x251: {  	v12 =	vld [tilespmem:s25+$0x11100];
	v5 =	vadd.f32 v9, v5;
	v4 =	vadd.f32 v4, v10  }
0x252: {  	v9 =	vld [tilespmem:s25+$0x11200]  }
0x253: {  	v10 =	vld [tilespmem:s25+$0x11400];
	v8 =	vadd.f32 v11, v8  }
0x254: {  	v11 =	vld [tilespmem:s25+$0x11500]  }
0x255: {  	v14 =	vld [tilespmem:s25+$0x11600];
	v5 =	vadd.f32 v8, v5  }
0x256: {  	v8 =	vld [tilespmem:s25+$0x11700]  }
0x257: {  	v15 =	vld [tilespmem:s25+$0x11800];
	v4 =	vadd.f32 v5, v4  }
0x258: {  	v5 =	vld [tilespmem:s25+$0x11900]  }
0x259: {  	v16 =	vld [tilespmem:s25+$0x11A00];
	v4 =	vadd.f32 v4, v6  }
0x25a: {  	v6 =	vld [tilespmem:s25+$0x11B00]  }
0x25b: {  	v17 =	vld [tilespmem:s25+$0x11C00];
	[tilespmem:s2+$0x0] =	vst v4  }
0x25c: {  	v4 =	vld [tilespmem:s25+$0x11D00]  }
0x25d: {  	s23 =	sadd.s32 $0x2, s23;
	v18 =	vld [tilespmem:s25+$0x11E00]  }
0x25e: {  	p1 =	slt.u32 s23, $0xE;
	v19 =	vld [tilespmem:s25+$0x11F00]  }
0x25f: {  	v20 =	vld [tilespmem:s24+$0xFFFFF800]  }
0x260: {  	v12 =	vadd.f32 v12, v13;
	v7 =	vadd.f32 v7, v9;
	v9 =	vld [tilespmem:s24+$0xFFFFF900]  }
0x261: {  	v10 =	vadd.f32 v11, v10;
	v8 =	vadd.f32 v8, v14;
	v11 =	vld [tilespmem:s24+$0xFFFFFA00]  }
0x262: {  	v5 =	vadd.f32 v5, v15;
	v6 =	vadd.f32 v6, v16;
	v13 =	vld [tilespmem:s24+$0xFFFFFB00]  }
0x263: {  	v4 =	vadd.f32 v4, v17;
	v14 =	vadd.f32 v19, v18;
	v15 =	vld [tilespmem:s24+$0xFFFFFC00]  }
0x264: {  	v7 =	vadd.f32 v7, v12;
	v8 =	vadd.f32 v8, v10;
	v10 =	vld [tilespmem:s24+$0xFFFFFD00]  }
0x265: {  	v5 =	vadd.f32 v6, v5;
	v4 =	vadd.f32 v14, v4;
	v12 =	vld [tilespmem:s24+$0xFFFFFE00]  }
0x266: {  	v9 =	vadd.f32 v9, v20;
	v14 =	vld [tilespmem:s24+$0xFFFFFF00]  }
0x267: {  	v6 =	vadd.f32 v8, v7;
	v4 =	vadd.f32 v4, v5;
	v16 =	vld [tilespmem:s24+$0x0]  }
0x268: {  	v5 =	vadd.f32 v13, v11;
	v17 =	vld [tilespmem:s24+$0x100]  }
0x269: {  	v8 =	vadd.f32 v4, v6;
	v4 =	vld [tilespmem:s24+$0x200];
	v11 =	vadd.f32 v10, v15  }
.Ltmp9:
0x26a: {  	s2 =	sadd.s32 $0x20, s2;
	v7 =	vadd.f32 v5, v9;
	v6 =	vld [tilespmem:s24+$0x300];
	(pc) =	sbr.rel @p1 .LBB2_18-.Ltmp9, $4  }
0x26b: {  	[tilespmem:s2+$0xFFFFFFF0] =	vst v8;
	v5 =	vld [tilespmem:s24+$0x400];
	v12 =	vadd.f32 v14, v12  }
0x26c: {  	v9 =	vld [tilespmem:s24+$0x500]  }
0x26d: {  	v8 =	vld [tilespmem:s24+$0x600];
	v10 =	vadd.f32 v17, v16;
	v12 =	vadd.f32 v12, v11  }
0x26e: {  	v11 =	vld [tilespmem:s24+$0x700];
	s24 =	sadd.s32 $0x20, s24  }
0x26f: {  	_ =	sdelay $0x2  }
0x270: {  	v4 =	vadd.f32 v6, v4  }
0x271: {  	v5 =	vadd.f32 v9, v5;
	v6 =	vadd.f32 v11, v8;
	_ =	sdelay $0x1  }
0x272: {  	v4 =	vadd.f32 v4, v10;
	v5 =	vadd.f32 v6, v5;
	_ =	sdelay $0x1  }
0x273: {  	v6 =	vadd.f32 v12, v7;
	v4 =	vadd.f32 v5, v4;
	_ =	sdelay $0x1  }
0x274: {  	v4 =	vadd.f32 v4, v6;
	_ =	sdelay $0x1  }
0x275: {  	[tilespmem:s2+$0x0] =	vst v4  }
0x276: {  	v4 =	vld [tilespmem:s31+$0xFFFFF7F0]  }
0x277: {  	v5 =	vld [tilespmem:s1+$0x12100]  }
0x278: {  	v6 =	vld [tilespmem:s1+$0x12200]  }
0x279: {  	v7 =	vld [tilespmem:s1+$0x12300]  }
0x27a: {  	v8 =	vld [tilespmem:s31+$0xFFFFFBF0]  }
0x27b: {  	v9 =	vld [tilespmem:s31+$0xFFFFFCF0]  }
0x27c: {  	v10 =	vld [tilespmem:s1+$0x12600]  }
0x27d: {  	v11 =	vld [tilespmem:s1+$0x12700]  }
0x27e: {  	v58 =	vld [tilespmem:s1+$0x12800]  }
0x27f: {  	v13 =	vld [tilespmem:s1+$0x12900]  }
0x280: {  	v14 =	vld [tilespmem:s1+$0x12A00]  }
0x281: {  	v15 =	vld [tilespmem:s1+$0x12B00]  }
0x282: {  	v59 =	vld [tilespmem:s31+$0xFFFFFB00];
	v4 =	vadd.s32 v4, v5  }
0x283: {  	v60 =	vld [tilespmem:s31+$0xFFFFFC00];
	v4 =	vadd.s32 v6, v4  }
0x284: {  	v61 =	vld [tilespmem:s31+$0xFFFFFD00];
	v4 =	vadd.s32 v7, v4  }
0x285: {  	v5 =	vld [tilespmem:s1+$0x12C00];
	v4 =	vadd.s32 v8, v4  }
0x286: {  	v4 =	vadd.s32 v9, v4;
	v9 =	vld [tilespmem:s31+$0xFFFFF800]  }
0x287: {  	v4 =	vadd.s32 v10, v4;
	v10 =	vld [tilespmem:s31+$0xFFFFF900]  }
0x288: {  	v4 =	vadd.s32 v11, v4;
	v11 =	vld [tilespmem:s31+$0xFFFFFA00]  }
0x289: {  	v6 =	vld [tilespmem:s1+$0x12D00];
	v4 =	vadd.s32 v58, v4  }
0x28a: {  	v7 =	vld [tilespmem:s1+$0x12E00];
	v4 =	vadd.s32 v13, v4  }
0x28b: {  	v8 =	vld [tilespmem:s1+$0x12F00];
	v4 =	vadd.s32 v14, v4  }
0x28c: {  	v4 =	vadd.s32 v15, v4;
	v9 =	vadd.s32 v9, v10;
	v10 =	vld [tilespmem:s31+$0xFFFFFE00]  }
0x28d: {  	v4 =	vadd.s32 v5, v4;
	v5 =	vadd.s32 v11, v9;
	v9 =	vld [tilespmem:s31+$0xFFFFFF00]  }
0x28e: {  	v11 =	vld [tilespmem:s31+$0x0];
	v4 =	vadd.s32 v6, v4;
	v5 =	vadd.s32 v59, v5  }
0x28f: {  	v62 =	vld [tilespmem:s31+$0x100];
	v4 =	vadd.s32 v7, v4;
	v5 =	vadd.s32 v60, v5  }
0x290: {  	v63 =	vld [tilespmem:s31+$0x200];
	v6 =	vadd.s32 v8, v4;
	v5 =	vadd.s32 v61, v5  }
0x291: {  	v4 =	vld [tilespmem:s31+$0x300];
	v7 =	vand.u32 $0xFFFF, v6;
	v8 =	vadd.s32 v10, v5  }
0x292: {  	v6 =	vshrl.u32 v6, $0x10;
	v5 =	vld [tilespmem:s31+$0x400];
	v7 =	vcvt.s32.f32 v7;
	v8 =	vadd.s32 v9, v8  }
0x293: {  	v9 =	vcvt.s32.f32 v6;
	v6 =	vld [tilespmem:s31+$0x500];
	v8 =	vadd.s32 v11, v8  }
0x294: {  	[tilespmem:s0+$0xFFFFFFF0] =	vst v7;
	v7 =	vld [tilespmem:s31+$0x600];
	v10 =	vadd.s32 v62, v8  }
0x295: {  	s23 =	simm.s32 $0x20;
	s2 =	simm.s32 $0x12830;
	s1 =	simm.s32 $0x0;
	[tilespmem:s0+$0xFFFFFEF0] =	vst v9;
	v8 =	vld [tilespmem:s31+$0x700];
	v9 =	vadd.s32 v63, v10  }
.LBB2_20:
0x296: {  	v10 =	vld [tilespmem:s2+$0xFFFFF7F0];
	s24 =	sand.u32 $0xE0, s23;
	s1 =	sadd.s32 $0x2, s1;
	v4 =	vadd.s32 v4, v9  }
0x297: {  	v9 =	vld [tilespmem:s24+$0x12100];
	p1 =	slt.u32 s1, $0xE;
	v4 =	vadd.s32 v5, v4  }
0x298: {  	v5 =	vld [tilespmem:s24+$0x12200];
	v4 =	vadd.s32 v6, v4  }
0x299: {  	v6 =	vld [tilespmem:s24+$0x12300];
	v4 =	vadd.s32 v7, v4  }
0x29a: {  	v7 =	vld [tilespmem:s2+$0xFFFFFBF0];
	v4 =	vadd.s32 v8, v4  }
0x29b: {  	v8 =	vld [tilespmem:s2+$0xFFFFFCF0];
	v11 =	vshrl.u32 v4, $0x10;
	v4 =	vand.u32 $0xFFFF, v4  }
0x29c: {  	v12 =	vld [tilespmem:s24+$0x12600];
	v9 =	vadd.s32 v10, v9;
	v10 =	vcvt.s32.f32 v11;
	v4 =	vcvt.s32.f32 v4  }
0x29d: {  	v11 =	vld [tilespmem:s24+$0x12700];
	v5 =	vadd.s32 v5, v9  }
0x29e: {  	v9 =	vld [tilespmem:s24+$0x12800];
	v5 =	vadd.s32 v6, v5;
	[tilespmem:s0+$0xFFFFFF00] =	vst v10  }
0x29f: {  	v6 =	vld [tilespmem:s24+$0x12900];
	v5 =	vadd.s32 v7, v5;
	[tilespmem:s0+$0x0] =	vst v4  }
0x2a0: {  	v4 =	vld [tilespmem:s24+$0x12A00];
	v5 =	vadd.s32 v8, v5  }
0x2a1: {  	v7 =	vld [tilespmem:s24+$0x12B00];
	v5 =	vadd.s32 v12, v5  }
0x2a2: {  	v8 =	vld [tilespmem:s24+$0x12C00];
	v5 =	vadd.s32 v11, v5  }
0x2a3: {  	v10 =	vld [tilespmem:s24+$0x12D00];
	v5 =	vadd.s32 v9, v5  }
0x2a4: {  	v9 =	vld [tilespmem:s24+$0x12E00];
	v5 =	vadd.s32 v6, v5  }
0x2a5: {  	v6 =	vld [tilespmem:s24+$0x12F00];
	v4 =	vadd.s32 v4, v5  }
0x2a6: {  	v4 =	vadd.s32 v7, v4;
	v5 =	vld [tilespmem:s2+$0xFFFFF800]  }
0x2a7: {  	v4 =	vadd.s32 v8, v4;
	v7 =	vld [tilespmem:s2+$0xFFFFF900]  }
0x2a8: {  	v4 =	vadd.s32 v10, v4;
	v8 =	vld [tilespmem:s2+$0xFFFFFA00]  }
0x2a9: {  	v4 =	vadd.s32 v9, v4;
	v9 =	vld [tilespmem:s2+$0xFFFFFB00]  }
0x2aa: {  	v4 =	vadd.s32 v6, v4;
	v6 =	vld [tilespmem:s2+$0xFFFFFC00]  }
0x2ab: {  	v10 =	vshrl.u32 v4, $0x10;
	v4 =	vand.u32 $0xFFFF, v4;
	v11 =	vld [tilespmem:s2+$0xFFFFFD00]  }
0x2ac: {  	v10 =	vcvt.s32.f32 v10;
	v4 =	vcvt.s32.f32 v4;
	v12 =	vld [tilespmem:s2+$0xFFFFFE00];
	v5 =	vadd.s32 v5, v7  }
0x2ad: {  	s0 =	sadd.s32 $0x20, s0;
	v7 =	vld [tilespmem:s2+$0xFFFFFF00];
	v5 =	vadd.s32 v8, v5  }
0x2ae: {  	[tilespmem:s0+$0xFFFFFFF0] =	vst v4;
	v8 =	vld [tilespmem:s2+$0x0];
	v4 =	vadd.s32 v9, v5  }
0x2af: {  	[tilespmem:s0+$0xFFFFFEF0] =	vst v10;
	v9 =	vld [tilespmem:s2+$0x100];
	v4 =	vadd.s32 v6, v4  }
0x2b0: {  	v10 =	vld [tilespmem:s2+$0x200];
	v5 =	vadd.s32 v11, v4  }
.Ltmp10:
0x2b1: {  	v4 =	vld [tilespmem:s2+$0x300];
	v6 =	vadd.s32 v12, v5;
	(pc) =	sbr.rel @p1 .LBB2_20-.Ltmp10, $4  }
0x2b2: {  	v5 =	vld [tilespmem:s2+$0x400];
	v7 =	vadd.s32 v7, v6  }
0x2b3: {  	v6 =	vld [tilespmem:s2+$0x500];
	v8 =	vadd.s32 v8, v7  }
0x2b4: {  	v7 =	vld [tilespmem:s2+$0x600];
	v9 =	vadd.s32 v9, v8  }
0x2b5: {  	s23 =	sadd.s32 $0x20, s23;
	v8 =	vld [tilespmem:s2+$0x700];
	v9 =	vadd.s32 v10, v9;
	s2 =	sadd.s32 $0x20, s2  }
0x2b6: {  	v4 =	vadd.s32 v4, v9  }
0x2b7: {  	v4 =	vadd.s32 v5, v4  }
0x2b8: {  	v4 =	vadd.s32 v6, v4  }
0x2b9: {  	v4 =	vadd.s32 v7, v4  }
0x2ba: {  	v4 =	vadd.s32 v8, v4  }
0x2bb: {  	v5 =	vshrl.u32 v4, $0x10  }
0x2bc: {  	v4 =	vand.u32 $0xFFFF, v4;
	v5 =	vcvt.s32.f32 v5  }
0x2bd: {  	v4 =	vcvt.s32.f32 v4  }
0x2be: {  	s31 =	simm.s32 $0x80;
	s28 =	sadd.s32 $0x1, s28;
	[tilespmem:s0+$0xFFFFFF00] =	vst v5  }
0x2bf: {  	s1 =	simm.s32 $0x400;
	s2 =	simm.s32 $0x13000;
	p1 =	sne.s32 s28, s14;
	[tilespmem:s0+$0x0] =	vst v4  }
0x2c0: {  	[hbm4b:s13+s31] =	stream.strided.scatter [tilespmem:s2], [sflag:$0x2], $0x600, s1, s31, $0x38;
	[tilespmem:$0x13600] =	vst v63  }
.Ltmp11:
0x2c1: {  	_ = 	snop;
	(pc) =	sbr.rel @p1 .LBB2_1-.Ltmp11, $4  }
.Ltmp12:
0x2c2: {  	_ = 	snop;
	(pc) =	sbr.rel @!p1 .LBB2_22-.Ltmp12, $4  }
0x2c3: {  	_ =	swait.ge [sflag:s26], $0x600  }
0x2c4: {  	[sflag:s26] =	ssyncset.done $0x0  }
0x2c5: {  	[sflag:s26] =	ssyncadd.s32 $0xFFFFFA00  }
0x2c6: {  	_ = 	snop  }
.LBB2_4:
.Ltmp13:
0x2c7: {  	(pc) =	sbr.rel .LBB2_11-.Ltmp13, $2  }
0x2c8: {  	_ =	sdelay $0x2  }
0x2c9: {  	v7 =	vmovc v23;
	v9 =	vmov v22;
	v8 =	vmov v31;
	v10 =	vmov v35;
	s31 =	simm.s32 $0xC840  }
.LBB2_6:
.Ltmp14:
0x2ca: {  	(pc) =	sbr.rel .LBB2_11-.Ltmp14, $4  }
0x2cb: {  	_ = 	snop  }
0x2cc: {  	v53 =	vmov v5;
	v51 =	vmov v6  }
0x2cd: {  	v52 =	vmovc v4;
	v49 =	vmovc v19;
	v7 =	vmov v16;
	v9 =	vmov v18;
	v8 =	vmov v14  }
0x2ce: {  	s31 =	simm.s32 $0xC840;
	s30 =	simm.s32 $0x7980;
	v5 =	vmovc v15;
	v10 =	vmovc v13;
	s0 =	simm.s32 $0xC840;
	v6 =	vmov v20;
	v19 =	vmov v17;
	v4 =	vmov v21  }
.LBB2_8:
.Ltmp15:
0x2cf: {  	(pc) =	sbr.rel .LBB2_11-.Ltmp15, $3  }
0x2d0: {  	_ =	sdelay $0x1  }
0x2d1: {  	v53 =	vmovc v15;
	v35 =	vmovc v13;
	v51 =	vmov v20;
	v31 =	vmov v14;
	v52 =	vmov v21  }
0x2d2: {  	s0 =	simm.s32 $0xC8C0;
	v49 =	vmovc v17;
	v19 =	vmovc v30;
	v36 =	vmov v34;
	v23 =	vmov v16;
	v22 =	vmov v18  }
.LBB2_22:
0x2d3: {  	_ =	sfence.sel $0x180000  }
0x2d4: {  	[bflag:$0x0] =	sbarrier.arrive $0xFFFF  }
0x2d5: {  	_ =	strace $0x90000047  }
0x2d6: {  	s0 =	stileid.u32;
	[bflag:$0x2] =	sbarrier.arrive $0xFFFF  }
0x2d7: {  	p0 =	sne.s32 s0, $0x0;
	s0 =	rddreg [dreg:$0x4]  }
0x2d8: {  	s0 =	sadd.s32 @!p0 $0x100000, s0  }
0x2d9: {  	[sflag:s0] =	ssyncadd.tile.s32 @!p0 $0x1;
	_ =	shalt  }
.Lfunc_end2:
_tile_overlayer_lowered:
.L_overlay_start_2:
0x2da: {  	(tag) =	ssettag $0x2  }
0x2db: {  	s0 =	rddreg [dreg:$0x0];
	s2 =	stileid.u32  }
0x2dc: {  	s1 =	rddreg [dreg:$0x1];
	p0 =	sne.s32 s2, $0x0  }
0x2dd: {  	s3 =	rddreg [dreg:$0x2];
	[bflag:$0x3] =	sbarrier.arrive $0xFFFF;
	s2 =	simm.s32 @!p0 $0x1C02  }
0x2de: {  	[timem:s3], [sflag:s2] =	dma.local @!p0 [hbm:s0], s1  }
0x2df: {  	s0 =	simm.s32 @!p0 $0x2  }
0x2e0: {  	_ =	swait.ge @!p0 [sflag:s0], s1  }
0x2e1: {  	s1 =	ssub.s32 @!p0 $0x0, s1;
	[sflag:s0] =	ssyncset.done @!p0 $0x0  }
0x2e2: {  	[sflag:s0] =	ssyncadd.s32 @!p0 s1  }
0x2e3: {  	[bflag:$0x3] =	sbarrier.arrive $0xFFFF  }
0x2e4: {  	_ =	shalt  }

</sc_bundles>
